<compile_context>
chip_gen: v7x
topology: tpu7x:2x2x1
jax: 0.10.2.dev20260603
libtpu: 0.0.44.dev20260713+nightly
codegen_flags: <defaults>
</compile_context>

<pallas_src>
import functools

import jax
import jax.numpy as jnp
from jax import lax
from jax.experimental import pallas as pl
from jax.experimental.pallas import tpu as pltpu
from jax.experimental.pallas import tpu_sc as plsc

f32 = jnp.float32

N = 10000
E = 320000
D = 128
G = 16

NS = 16
EPT = E // NS
C = 80
NCHUNK = EPT // C

EB = 2000
NBE = E // EB
NB = 2000
NBN = N // NB



def _gn_body(x_ref, brow_ref, bcol_ref, gw_ref, gb_ref, gms_ref, h_ref):
    x = x_ref[...]
    brow = brow_ref[...]
    bcol = bcol_ref[...]
    oh_gn = (lax.broadcasted_iota(jnp.int32, (G, N), 0) == brow).astype(f32)
    oh_ng = (lax.broadcasted_iota(jnp.int32, (N, G), 1) == bcol).astype(f32)
    cnt = jnp.maximum(jnp.sum(oh_gn, axis=1, keepdims=True), 1.0)
    dn = (((1,), (0,)), ((), ()))
    mean = lax.dot_general(oh_gn, x, dn, preferred_element_type=f32) / cnt
    meanb = lax.dot_general(oh_ng, mean, dn, preferred_element_type=f32)
    outn = x - meanb * gms_ref[...]
    var = lax.dot_general(oh_gn, outn * outn, dn,
                          preferred_element_type=f32) / cnt
    rstd = lax.rsqrt(var + 1e-5)
    rstdb = lax.dot_general(oh_ng, rstd, dn, preferred_element_type=f32)
    h = gw_ref[...] * outn * rstdb + gb_ref[...]
    h_ref[...] = jnp.where(h >= 0, h, 0.01 * h)


def _graphnorm(x, batch, gn_weight, gn_bias, gn_mean_scale):
    return pl.pallas_call(
        _gn_body,
        out_shape=jax.ShapeDtypeStruct((N, D), f32),
    )(x, batch.reshape(1, N), batch.reshape(N, 1),
      gn_weight.reshape(1, D), gn_bias.reshape(1, D),
      gn_mean_scale.reshape(1, D))



def _bn_stats_body(ea_ref, bw_ref, bb_ref, a_ref, c_ref, acc_ref):
    i = pl.program_id(0)
    blk = ea_ref[...]

    @pl.when(i == 0)
    def _():
        acc_ref[...] = jnp.zeros_like(acc_ref)

    s1 = jnp.sum(blk, axis=0, keepdims=True)
    s2 = jnp.sum(blk * blk, axis=0, keepdims=True)
    acc_ref[0:1, :] = acc_ref[0:1, :] + s1
    acc_ref[1:2, :] = acc_ref[1:2, :] + s2

    @pl.when(i == NBE - 1)
    def _():
        mu = acc_ref[0:1, :] / E
        var = acc_ref[1:2, :] / E - mu * mu
        a = bw_ref[...] * lax.rsqrt(var + 1e-5)
        a_ref[...] = a
        c_ref[...] = bb_ref[...] - mu * a


def _bn_stats(edge_attr, bn_weight, bn_bias):
    return pl.pallas_call(
        _bn_stats_body,
        grid=(NBE,),
        in_specs=[
            pl.BlockSpec((EB, D), lambda i: (i, 0)),
            pl.BlockSpec((1, D), lambda i: (0, 0)),
            pl.BlockSpec((1, D), lambda i: (0, 0)),
        ],
        out_specs=[
            pl.BlockSpec((1, D), lambda i: (0, 0)),
            pl.BlockSpec((1, D), lambda i: (0, 0)),
        ],
        out_shape=[
            jax.ShapeDtypeStruct((1, D), f32),
            jax.ShapeDtypeStruct((1, D), f32),
        ],
        scratch_shapes=[pltpu.VMEM((2, D), f32)],
    )(edge_attr, bn_weight.reshape(1, D), bn_bias.reshape(1, D))



def _attr_body(ea_ref, a_ref, c_ref, wp_ref, bp_ref, attr_ref, oa_ref):
    ea = ea_ref[...]
    y = ea * a_ref[...] + c_ref[...]
    y = jnp.where(y >= 0, y, 0.01 * y)
    attr = lax.dot_general(y, wp_ref[...], (((1,), (1,)), ((), ())),
                           preferred_element_type=f32) + bp_ref[...]
    attr_ref[...] = attr
    oa_ref[...] = attr + ea


def _edge_transform(edge_attr, a, c, W_pass, b_pass):
    return pl.pallas_call(
        _attr_body,
        grid=(NBE,),
        in_specs=[
            pl.BlockSpec((EB, D), lambda i: (i, 0)),
            pl.BlockSpec((1, D), lambda i: (0, 0)),
            pl.BlockSpec((1, D), lambda i: (0, 0)),
            pl.BlockSpec((D, D), lambda i: (0, 0)),
            pl.BlockSpec((1, D), lambda i: (0, 0)),
        ],
        out_specs=[
            pl.BlockSpec((EB, D), lambda i: (i, 0)),
            pl.BlockSpec((EB, D), lambda i: (i, 0)),
        ],
        out_shape=[
            jax.ShapeDtypeStruct((E, D), f32),
            jax.ShapeDtypeStruct((E, D), f32),
        ],
    )(edge_attr, a, c, W_pass, b_pass.reshape(1, D))



def _sc_edge_body(src_hbm, dst_hbm, h_hbm, attr_hbm, t_hbm, z_hbm,
                  s_out, e_out,
                  src_v, dst_v, h_v, a_v, o_v, t_v, acc_sh, sem):
    cid = lax.axis_index("c")
    sid = lax.axis_index("s")

    @pl.when(sid == 0)
    def _():
        pltpu.sync_copy(z_hbm, acc_sh)

    pltpu.sync_copy(t_hbm, t_v)
    plsc.subcore_barrier()

    def _process(store_pm, out_hbm):
        def chunk_body(k, carry):
            base = sid * EPT + k * C
            pltpu.sync_copy(src_hbm.at[pl.ds(base, C)], src_v)
            pltpu.sync_copy(dst_hbm.at[pl.ds(base, C)], dst_v)
            pltpu.async_copy(h_hbm.at[src_v], h_v, sem).wait()
            pltpu.sync_copy(attr_hbm.at[pl.ds(base, C)], a_v)
            tv = t_v[...]

            def edge_body(i, carry2):
                for j in range(D // 16):
                    hs = h_v[i, pl.ds(j * 16, 16)]
                    at = a_v[i, pl.ds(j * 16, 16)]
                    msg = jnp.maximum(hs + at, 0.0) + 1e-7
                    p = jnp.exp(msg * tv)
                    o_v[i, pl.ds(j * 16, 16)] = p * msg if store_pm else p
                return carry2

            lax.fori_loop(0, C, edge_body, 0)
            pltpu.sync_copy(o_v, acc_sh.at[dst_v], add=True)
            return carry

        lax.fori_loop(0, NCHUNK, chunk_body, 0)
        plsc.subcore_barrier()

        @pl.when(sid == 0)
        def _():
            pltpu.sync_copy(acc_sh, out_hbm)

    @pl.when(cid == 0)
    def _():
        _process(False, s_out)

    @pl.when(cid == 1)
    def _():
        _process(True, e_out)


def _sc_edge_pass(src, dst, h, attr, tvec, zrows):
    mesh = plsc.VectorSubcoreMesh(core_axis_name="c", subcore_axis_name="s",
                                  num_cores=2, num_subcores=NS)
    k = functools.partial(
        pl.kernel,
        out_type=[jax.ShapeDtypeStruct((N, D), f32)] * 2,
        mesh=mesh,
        scratch_types=[
            pltpu.VMEM((C,), jnp.int32),
            pltpu.VMEM((C,), jnp.int32),
            pltpu.VMEM((C, D), f32),
            pltpu.VMEM((C, D), f32),
            pltpu.VMEM((C, D), f32),
            pltpu.VMEM((16,), f32),
            pltpu.VMEM_SHARED((N, D), f32),
            pltpu.SemaphoreType.DMA,
        ],
    )(_sc_edge_body)
    return k(src, dst, h, attr, tvec, zrows)



def _final_body(s_ref, e_ref, h_ref, x_ref, w1_ref, lnw_ref, lnb_ref, w2_ref,
                o_ref):
    out2 = e_ref[...] / (s_ref[...] + 1e-16) + h_ref[...]
    h1 = lax.dot_general(out2, w1_ref[...], (((1,), (1,)), ((), ())),
                         preferred_element_type=f32)
    mu = jnp.mean(h1, axis=1, keepdims=True)
    dlt = h1 - mu
    v = jnp.mean(dlt * dlt, axis=1, keepdims=True)
    h1n = dlt * lax.rsqrt(v + 1e-5) * lnw_ref[...] + lnb_ref[...]
    h1n = jnp.maximum(h1n, 0.0)
    h2 = lax.dot_general(h1n, w2_ref[...], (((1,), (1,)), ((), ())),
                         preferred_element_type=f32)
    o_ref[...] = h2 + x_ref[...]


def _final_stage(s, e, h, x, W1, ln_w, ln_b, W2):
    return pl.pallas_call(
        _final_body,
        grid=(NBN,),
        in_specs=[
            pl.BlockSpec((NB, D), lambda i: (i, 0)),
            pl.BlockSpec((NB, D), lambda i: (i, 0)),
            pl.BlockSpec((NB, D), lambda i: (i, 0)),
            pl.BlockSpec((NB, D), lambda i: (i, 0)),
            pl.BlockSpec((2 * D, D), lambda i: (0, 0)),
            pl.BlockSpec((1, 2 * D), lambda i: (0, 0)),
            pl.BlockSpec((1, 2 * D), lambda i: (0, 0)),
            pl.BlockSpec((D, 2 * D), lambda i: (0, 0)),
        ],
        out_specs=pl.BlockSpec((NB, D), lambda i: (i, 0)),
        out_shape=jax.ShapeDtypeStruct((N, D), f32),
    )(s, e, h, x, W1, ln_w.reshape(1, 2 * D), ln_b.reshape(1, 2 * D), W2)



def kernel(x, edge_index, edge_attr, batch, gn_weight, gn_bias, gn_mean_scale,
           bn_weight, bn_bias, W_pass, b_pass, t, W1, ln_w, ln_b, W2):
    src = edge_index[0]
    dst = edge_index[1]
    h = _graphnorm(x, batch, gn_weight, gn_bias, gn_mean_scale)
    a, c = _bn_stats(edge_attr, bn_weight, bn_bias)
    attr, out_attr = _edge_transform(edge_attr, a, c, W_pass, b_pass)
    tvec = jnp.broadcast_to(t.astype(f32), (16,))
    zrows = jnp.zeros((N, D), f32)
    s, e = _sc_edge_pass(src, dst, h, attr, tvec, zrows)
    out1 = _final_stage(s, e, h, x, W1, ln_w, ln_b, W2)
    return (out1, out_attr)

# --- scband reference (transcript-rebuilt; emitter-appended) ---
"""Pipeline reference for scband-deep-mesh-gcn-layer-68831145886184 (READ-ONLY COPY).

The authoritative reference and input builder live on the scoring server;
editing this copy changes nothing except your own understanding.
"""

import jax, jax.numpy as jnp
import numpy as np

N = 10000
E = 320000
D = 128
G = 16


def _seg_softmax(src, index, num_segments):
    m = jax.ops.segment_max(src, index, num_segments=num_segments)
    m = jnp.where(jnp.isfinite(m), m, 0.0)
    e = jnp.exp(src - m[index])
    s = jax.ops.segment_sum(e, index, num_segments=num_segments)
    return e / (s[index] + 1e-16)


def setup_inputs(seed: int = 0):
    key = jax.random.key(seed)
    ks = jax.random.split(key, 10)
    x = jax.random.normal(ks[0], (N, D), dtype=jnp.float32)
    edge_index = jax.random.randint(ks[1], (2, E), 0, N, dtype=jnp.int32)
    edge_attr = jax.random.normal(ks[2], (E, D), dtype=jnp.float32)
    batch = jnp.sort(jax.random.randint(ks[3], (N,), 0, G, dtype=jnp.int32))
    gn_weight = jnp.ones((D,), jnp.float32)
    gn_bias = jnp.zeros((D,), jnp.float32)
    gn_mean_scale = jnp.ones((D,), jnp.float32)
    bn_weight = jnp.ones((D,), jnp.float32)
    bn_bias = jnp.zeros((D,), jnp.float32)
    W_pass = jax.random.normal(ks[4], (D, D), jnp.float32) * (1.0 / np.sqrt(D))
    b_pass = jnp.zeros((D,), jnp.float32)
    t = jnp.array(1.0, jnp.float32)
    W1 = jax.random.normal(ks[5], (2 * D, D), jnp.float32) * (1.0 / np.sqrt(D))
    ln_w = jnp.ones((2 * D,), jnp.float32)
    ln_b = jnp.zeros((2 * D,), jnp.float32)
    W2 = jax.random.normal(ks[6], (D, 2 * D), jnp.float32) * (1.0 / np.sqrt(2 * D))
    return dict(x=x, edge_index=edge_index, edge_attr=edge_attr, batch=batch,
                gn_weight=gn_weight, gn_bias=gn_bias, gn_mean_scale=gn_mean_scale,
                bn_weight=bn_weight, bn_bias=bn_bias, W_pass=W_pass, b_pass=b_pass,
                t=t, W1=W1, ln_w=ln_w, ln_b=ln_b, W2=W2)


def reference(x, edge_index, edge_attr, batch, gn_weight, gn_bias, gn_mean_scale,
              bn_weight, bn_bias, W_pass, b_pass, t, W1, ln_w, ln_b, W2):
    # GraphNorm(h, batch)
    cnt = jax.ops.segment_sum(jnp.ones((N,), jnp.float32), batch, num_segments=G)
    cnt = jnp.maximum(cnt, 1.0)
    mean = jax.ops.segment_sum(x, batch, num_segments=G) / cnt[:, None]
    outn = x - mean[batch] * gn_mean_scale
    var = jax.ops.segment_sum(outn * outn, batch, num_segments=G) / cnt[:, None]
    std = jnp.sqrt(var + 1e-5)
    h = gn_weight * outn / std[batch] + gn_bias
    h = jax.nn.leaky_relu(h, 0.01)
    # BatchNorm1d on edge_attr (training-mode batch statistics)
    mu = jnp.mean(edge_attr, axis=0)
    vv = jnp.mean((edge_attr - mu) ** 2, axis=0)
    attr = (edge_attr - mu) / jnp.sqrt(vv + 1e-5) * bn_weight + bn_bias
    attr = jax.nn.leaky_relu(attr, 0.01)
    # passing: Linear(p_d, e_d)
    attr = attr @ W_pass.T + b_pass
    # gcnblock: message + softmax aggregation (no lin_src/lin_edge/lin_dst since dims match, bias=False)
    src = edge_index[0]
    dst = edge_index[1]
    msg = jax.nn.relu(h[src] + attr) + 1e-7
    alpha = _seg_softmax(msg * t, dst, N)
    aggr = jax.ops.segment_sum(alpha * msg, dst, num_segments=N)
    out2 = aggr + h
    # MLP [D, 2D, D], norm='layer', bias=False, dropout=0
    h1 = out2 @ W1.T
    mu1 = jnp.mean(h1, axis=-1, keepdims=True)
    v1 = jnp.mean((h1 - mu1) ** 2, axis=-1, keepdims=True)
    h1 = (h1 - mu1) / jnp.sqrt(v1 + 1e-5) * ln_w + ln_b
    h1 = jax.nn.relu(h1)
    h2 = h1 @ W2.T
    return (h2 + x, attr + edge_attr)

if __name__ == "__main__":
    import jax
    _d = setup_inputs()
    print(jax.jit(kernel)(*tuple(_d.values())))

</pallas_src>

<mosaic_0001>
#map = affine_map<(d0, d1) -> (0)>
#map1 = affine_map<(d0, d1) -> (0, 0)>
module attributes {stable_mosaic.version = 14 : i64} {
  func.func @_sc_edge_body(%arg0: i32, %arg1: i32, %arg2: memref<320000xi32, #tpu.memory_space<hbm>>, %arg3: memref<320000xi32, #tpu.memory_space<hbm>>, %arg4: memref<10000x128xf32, #tpu.memory_space<hbm>>, %arg5: memref<320000x128xf32, #tpu.memory_space<hbm>>, %arg6: memref<16xf32, #tpu.memory_space<hbm>>, %arg7: memref<10000x128xf32, #tpu.memory_space<hbm>>, %arg8: memref<10000x128xf32, #tpu.memory_space<hbm>>, %arg9: memref<10000x128xf32, #tpu.memory_space<hbm>>, %arg10: memref<80xi32, #tpu.memory_space<vmem>>, %arg11: memref<80xi32, #tpu.memory_space<vmem>>, %arg12: memref<80x128xf32, #tpu.memory_space<vmem>>, %arg13: memref<80x128xf32, #tpu.memory_space<vmem>>, %arg14: memref<80x128xf32, #tpu.memory_space<vmem>>, %arg15: memref<16xf32, #tpu.memory_space<vmem>>, %arg16: memref<10000x128xf32, #tpu.memory_space<vmem_shared>>, %arg17: memref<!tpu.dma_semaphore, #tpu.memory_space<semaphore_mem>>) attributes {dimension_semantics = [#tpu.dimension_semantics<core_parallel>, #tpu.dimension_semantics<subcore_parallel>], iteration_bounds = array<i64: 2, 16>, scalar_prefetch = 0 : i64, scratch_operands = 8 : i64, tpu.core_type = #tpu.core_type<sc_vector_subcore>, window_params = [{transform_indices = #map}, {transform_indices = #map}, {transform_indices = #map1}, {transform_indices = #map1}, {transform_indices = #map}, {transform_indices = #map1}, {transform_indices = #map1}, {transform_indices = #map1}]} {
    %eq3A = arith.constant 0 : i32
    %eq3A_0 = arith.cmpi eq, %arg1, %eq3A : i32
    %convert_element_type3A = arith.extui %eq3A_0 : i1 to i32
    %cond3A = arith.constant 0 : i32
    %cond3A_1 = arith.cmpi ne, %convert_element_type3A, %cond3A : i32
    scf.if %cond3A_1 {
      "tpu.region"() ({
        %run_scoped3A = tpu.sem_alloc : memref<!tpu.dma_semaphore, #tpu.memory_space<semaphore_mem>>
        tpu.enqueue_dma source(%arg7 : memref<10000x128xf32, #tpu.memory_space<hbm>>) target(%arg16 : memref<10000x128xf32, #tpu.memory_space<vmem_shared>>) target_semaphore(%run_scoped3A : memref<!tpu.dma_semaphore, #tpu.memory_space<semaphore_mem>>)
        tpu.wait_dma2 semaphore(%run_scoped3A : memref<!tpu.dma_semaphore, #tpu.memory_space<semaphore_mem>>) src(%arg7 : memref<10000x128xf32, #tpu.memory_space<hbm>>) dst(%arg16 : memref<10000x128xf32, #tpu.memory_space<vmem_shared>>)
        tpu.yield
      }) : () -> ()
    } else {
    }
    "tpu.region"() ({
      %run_scoped3A = tpu.sem_alloc : memref<!tpu.dma_semaphore, #tpu.memory_space<semaphore_mem>>
      tpu.enqueue_dma source(%arg6 : memref<16xf32, #tpu.memory_space<hbm>>) target(%arg15 : memref<16xf32, #tpu.memory_space<vmem>>) target_semaphore(%run_scoped3A : memref<!tpu.dma_semaphore, #tpu.memory_space<semaphore_mem>>)
      tpu.wait_dma2 semaphore(%run_scoped3A : memref<!tpu.dma_semaphore, #tpu.memory_space<semaphore_mem>>) src(%arg6 : memref<16xf32, #tpu.memory_space<hbm>>) dst(%arg15 : memref<16xf32, #tpu.memory_space<vmem>>)
      tpu.yield
    }) : () -> ()
    %barrier3A = arith.constant 0 : index
    tpu.barrier barrier_id(%barrier3A)
    %eq3A_2 = arith.constant 0 : i32
    %eq3A_3 = arith.cmpi eq, %arg0, %eq3A_2 : i32
    %convert_element_type3A_4 = arith.extui %eq3A_3 : i1 to i32
    %cond3A_5 = arith.constant 0 : i32
    %cond3A_6 = arith.cmpi ne, %convert_element_type3A_4, %cond3A_5 : i32
    scf.if %cond3A_6 {
      %scan3A = arith.constant 0 : i32
      %scan3A_12 = arith.constant 0 : i32
      %scan3A_13 = arith.constant 250 : i32
      %scan3A_14 = arith.addi %scan3A_12, %scan3A_13 : i32
      %scan3A_15 = arith.constant 1 : i32
      scf.for %scan3A_23 = %scan3A_12 to %scan3A_14 step %scan3A_15  : i32 {
        %mul3A = arith.constant 20000 : i32
        %mul3A_24 = arith.muli %arg1, %mul3A : i32
        %mul3A_25 = arith.constant 80 : i32
        %mul3A_26 = arith.muli %scan3A_23, %mul3A_25 : i32
        %add3A = arith.addi %mul3A_24, %mul3A_26 : i32
        "tpu.region"() ({
          %run_scoped3A = tpu.sem_alloc : memref<!tpu.dma_semaphore, #tpu.memory_space<semaphore_mem>>
          %dma_start3A_39 = tpu.memref_slice %arg2[%add3A] : memref<320000xi32, #tpu.memory_space<hbm>> -> memref<80xi32, #tpu.memory_space<hbm>>
          %dma_start3A_40 = tpu.memref_slice %arg2[%add3A] : memref<320000xi32, #tpu.memory_space<hbm>> -> memref<80xi32, #tpu.memory_space<hbm>>
          tpu.enqueue_dma source(%dma_start3A_40 : memref<80xi32, #tpu.memory_space<hbm>>) target(%arg10 : memref<80xi32, #tpu.memory_space<vmem>>) target_semaphore(%run_scoped3A : memref<!tpu.dma_semaphore, #tpu.memory_space<semaphore_mem>>)
          %dma_wait3A_41 = tpu.memref_slice %arg2[%add3A] : memref<320000xi32, #tpu.memory_space<hbm>> -> memref<80xi32, #tpu.memory_space<hbm>>
          %dma_wait3A_42 = tpu.memref_slice %arg2[%add3A] : memref<320000xi32, #tpu.memory_space<hbm>> -> memref<80xi32, #tpu.memory_space<hbm>>
          tpu.wait_dma2 semaphore(%run_scoped3A : memref<!tpu.dma_semaphore, #tpu.memory_space<semaphore_mem>>) src(%dma_wait3A_42 : memref<80xi32, #tpu.memory_space<hbm>>) dst(%arg10 : memref<80xi32, #tpu.memory_space<vmem>>)
          tpu.yield
        }) : () -> ()
        "tpu.region"() ({
          %run_scoped3A = tpu.sem_alloc : memref<!tpu.dma_semaphore, #tpu.memory_space<semaphore_mem>>
          %dma_start3A_39 = tpu.memref_slice %arg3[%add3A] : memref<320000xi32, #tpu.memory_space<hbm>> -> memref<80xi32, #tpu.memory_space<hbm>>
          %dma_start3A_40 = tpu.memref_slice %arg3[%add3A] : memref<320000xi32, #tpu.memory_space<hbm>> -> memref<80xi32, #tpu.memory_space<hbm>>
          tpu.enqueue_dma source(%dma_start3A_40 : memref<80xi32, #tpu.memory_space<hbm>>) target(%arg11 : memref<80xi32, #tpu.memory_space<vmem>>) target_semaphore(%run_scoped3A : memref<!tpu.dma_semaphore, #tpu.memory_space<semaphore_mem>>)
          %dma_wait3A_41 = tpu.memref_slice %arg3[%add3A] : memref<320000xi32, #tpu.memory_space<hbm>> -> memref<80xi32, #tpu.memory_space<hbm>>
          %dma_wait3A_42 = tpu.memref_slice %arg3[%add3A] : memref<320000xi32, #tpu.memory_space<hbm>> -> memref<80xi32, #tpu.memory_space<hbm>>
          tpu.wait_dma2 semaphore(%run_scoped3A : memref<!tpu.dma_semaphore, #tpu.memory_space<semaphore_mem>>) src(%dma_wait3A_42 : memref<80xi32, #tpu.memory_space<hbm>>) dst(%arg11 : memref<80xi32, #tpu.memory_space<vmem>>)
          tpu.yield
        }) : () -> ()
        %dma_start3A = arith.constant 0 : i32
        %dma_start3A_27 = arith.constant 0 : i32
        %dma_start3A_28 = tpu.memref_slice %arg4[%dma_start3A, %dma_start3A_27] : memref<10000x128xf32, #tpu.memory_space<hbm>> -> memref<10000x128xf32, #tpu.memory_space<hbm>>
        tpu.enqueue_indirect_dma source(%dma_start3A_28 : memref<10000x128xf32, #tpu.memory_space<hbm>>) target(%arg12 : memref<80x128xf32, #tpu.memory_space<vmem>>) offsets(%arg10 : memref<80xi32, #tpu.memory_space<vmem>>) semaphore(%arg17 : memref<!tpu.dma_semaphore, #tpu.memory_space<semaphore_mem>>)
        %dma_wait3A = arith.constant 0 : i32
        %dma_wait3A_29 = arith.constant 0 : i32
        %dma_wait3A_30 = tpu.memref_slice %arg4[%dma_wait3A, %dma_wait3A_29] : memref<10000x128xf32, #tpu.memory_space<hbm>> -> memref<10000x128xf32, #tpu.memory_space<hbm>>
        tpu.wait_indirect_dma semaphore(%arg17 : memref<!tpu.dma_semaphore, #tpu.memory_space<semaphore_mem>>) src(%dma_wait3A_30 : memref<10000x128xf32, #tpu.memory_space<hbm>>) dst(%arg12 : memref<80x128xf32, #tpu.memory_space<vmem>>)
        "tpu.region"() ({
          %run_scoped3A = tpu.sem_alloc : memref<!tpu.dma_semaphore, #tpu.memory_space<semaphore_mem>>
          %dma_start3A_39 = arith.constant 0 : i32
          %dma_start3A_40 = tpu.memref_slice %arg5[%add3A, %dma_start3A_39] : memref<320000x128xf32, #tpu.memory_space<hbm>> -> memref<80x128xf32, #tpu.memory_space<hbm>>
          %dma_start3A_41 = arith.constant 0 : i32
          %dma_start3A_42 = tpu.memref_slice %arg5[%add3A, %dma_start3A_41] : memref<320000x128xf32, #tpu.memory_space<hbm>> -> memref<80x128xf32, #tpu.memory_space<hbm>>
          tpu.enqueue_dma source(%dma_start3A_42 : memref<80x128xf32, #tpu.memory_space<hbm>>) target(%arg13 : memref<80x128xf32, #tpu.memory_space<vmem>>) target_semaphore(%run_scoped3A : memref<!tpu.dma_semaphore, #tpu.memory_space<semaphore_mem>>)
          %dma_wait3A_43 = arith.constant 0 : i32
          %dma_wait3A_44 = tpu.memref_slice %arg5[%add3A, %dma_wait3A_43] : memref<320000x128xf32, #tpu.memory_space<hbm>> -> memref<80x128xf32, #tpu.memory_space<hbm>>
          %dma_wait3A_45 = arith.constant 0 : i32
          %dma_wait3A_46 = tpu.memref_slice %arg5[%add3A, %dma_wait3A_45] : memref<320000x128xf32, #tpu.memory_space<hbm>> -> memref<80x128xf32, #tpu.memory_space<hbm>>
          tpu.wait_dma2 semaphore(%run_scoped3A : memref<!tpu.dma_semaphore, #tpu.memory_space<semaphore_mem>>) src(%dma_wait3A_46 : memref<80x128xf32, #tpu.memory_space<hbm>>) dst(%arg13 : memref<80x128xf32, #tpu.memory_space<vmem>>)
          tpu.yield
        }) : () -> ()
        %get3A = arith.constant 0 : index
        %get3A_31 = tpu.vector_load %arg15[%get3A] {strides = array<i32>} : memref<16xf32, #tpu.memory_space<vmem>>, vector<16xf32>,
        %get3A_32 = vector.shape_cast %get3A_31 : vector<16xf32> to vector<16xf32>
        %scan3A_33 = arith.constant 0 : i32
        %scan3A_34 = arith.constant 0 : i32
        %scan3A_35 = arith.constant 80 : i32
        %scan3A_36 = arith.addi %scan3A_34, %scan3A_35 : i32
        %scan3A_37 = arith.constant 1 : i32
        scf.for %scan3A_39 = %scan3A_34 to %scan3A_36 step %scan3A_37  : i32 {
          %get3A_40 = arith.index_cast %scan3A_39 : i32 to index
          %get3A_41 = arith.constant 0 : index
          %get3A_42 = tpu.vector_load %arg12[%get3A_40, %get3A_41] {strides = array<i32>} : memref<80x128xf32, #tpu.memory_space<vmem>>, vector<1x16xf32>,
          %get3A_43 = vector.shape_cast %get3A_42 : vector<1x16xf32> to vector<16xf32>
          %get3A_44 = arith.index_cast %scan3A_39 : i32 to index
          %get3A_45 = arith.constant 0 : index
          %get3A_46 = tpu.vector_load %arg13[%get3A_44, %get3A_45] {strides = array<i32>} : memref<80x128xf32, #tpu.memory_space<vmem>>, vector<1x16xf32>,
          %get3A_47 = vector.shape_cast %get3A_46 : vector<1x16xf32> to vector<16xf32>
          %add3A_48 = arith.addf %get3A_43, %get3A_47 : vector<16xf32>
          %max3A = arith.constant 0.000000e+00 : f32
          %max3A_49 = vector.broadcast %max3A : f32 to vector<16xf32>
          %max3A_50 = arith.maximumf %add3A_48, %max3A_49 : vector<16xf32>
          %add3A_51 = arith.constant 1.000000e-07 : f32
          %add3A_52 = vector.broadcast %add3A_51 : f32 to vector<16xf32>
          %add3A_53 = arith.addf %max3A_50, %add3A_52 : vector<16xf32>
          %mul3A_54 = arith.mulf %add3A_53, %get3A_32 : vector<16xf32>
          %exp3A = math.exp %mul3A_54 : vector<16xf32>
          %swap3A = arith.index_cast %scan3A_39 : i32 to index
          %swap3A_55 = arith.constant 0 : index
          %swap3A_56 = tpu.vector_load %arg14[%swap3A, %swap3A_55] {strides = array<i32>} : memref<80x128xf32, #tpu.memory_space<vmem>>, vector<1x16xf32>,
          %swap3A_57 = vector.shape_cast %swap3A_56 : vector<1x16xf32> to vector<16xf32>
          %swap3A_58 = vector.shape_cast %exp3A : vector<16xf32> to vector<1x16xf32>
          tpu.vector_store %arg14[%swap3A, %swap3A_55], %swap3A_58 {strides = array<i32>} : memref<80x128xf32, #tpu.memory_space<vmem>>, vector<1x16xf32>,
          %get3A_59 = arith.index_cast %scan3A_39 : i32 to index
          %get3A_60 = arith.constant 16 : index
          %get3A_61 = tpu.vector_load %arg12[%get3A_59, %get3A_60] {strides = array<i32>} : memref<80x128xf32, #tpu.memory_space<vmem>>, vector<1x16xf32>,
          %get3A_62 = vector.shape_cast %get3A_61 : vector<1x16xf32> to vector<16xf32>
          %get3A_63 = arith.index_cast %scan3A_39 : i32 to index
          %get3A_64 = arith.constant 16 : index
          %get3A_65 = tpu.vector_load %arg13[%get3A_63, %get3A_64] {strides = array<i32>} : memref<80x128xf32, #tpu.memory_space<vmem>>, vector<1x16xf32>,
          %get3A_66 = vector.shape_cast %get3A_65 : vector<1x16xf32> to vector<16xf32>
          %add3A_67 = arith.addf %get3A_62, %get3A_66 : vector<16xf32>
          %max3A_68 = arith.constant 0.000000e+00 : f32
          %max3A_69 = vector.broadcast %max3A_68 : f32 to vector<16xf32>
          %max3A_70 = arith.maximumf %add3A_67, %max3A_69 : vector<16xf32>
          %add3A_71 = arith.constant 1.000000e-07 : f32
          %add3A_72 = vector.broadcast %add3A_71 : f32 to vector<16xf32>
          %add3A_73 = arith.addf %max3A_70, %add3A_72 : vector<16xf32>
          %mul3A_74 = arith.mulf %add3A_73, %get3A_32 : vector<16xf32>
          %exp3A_75 = math.exp %mul3A_74 : vector<16xf32>
          %swap3A_76 = arith.index_cast %scan3A_39 : i32 to index
          %swap3A_77 = arith.constant 16 : index
          %swap3A_78 = tpu.vector_load %arg14[%swap3A_76, %swap3A_77] {strides = array<i32>} : memref<80x128xf32, #tpu.memory_space<vmem>>, vector<1x16xf32>,
          %swap3A_79 = vector.shape_cast %swap3A_78 : vector<1x16xf32> to vector<16xf32>
          %swap3A_80 = vector.shape_cast %exp3A_75 : vector<16xf32> to vector<1x16xf32>
          tpu.vector_store %arg14[%swap3A_76, %swap3A_77], %swap3A_80 {strides = array<i32>} : memref<80x128xf32, #tpu.memory_space<vmem>>, vector<1x16xf32>,
          %get3A_81 = arith.index_cast %scan3A_39 : i32 to index
          %get3A_82 = arith.constant 32 : index
          %get3A_83 = tpu.vector_load %arg12[%get3A_81, %get3A_82] {strides = array<i32>} : memref<80x128xf32, #tpu.memory_space<vmem>>, vector<1x16xf32>,
          %get3A_84 = vector.shape_cast %get3A_83 : vector<1x16xf32> to vector<16xf32>
          %get3A_85 = arith.index_cast %scan3A_39 : i32 to index
          %get3A_86 = arith.constant 32 : index
          %get3A_87 = tpu.vector_load %arg13[%get3A_85, %get3A_86] {strides = array<i32>} : memref<80x128xf32, #tpu.memory_space<vmem>>, vector<1x16xf32>,
          %get3A_88 = vector.shape_cast %get3A_87 : vector<1x16xf32> to vector<16xf32>
          %add3A_89 = arith.addf %get3A_84, %get3A_88 : vector<16xf32>
          %max3A_90 = arith.constant 0.000000e+00 : f32
          %max3A_91 = vector.broadcast %max3A_90 : f32 to vector<16xf32>
          %max3A_92 = arith.maximumf %add3A_89, %max3A_91 : vector<16xf32>
          %add3A_93 = arith.constant 1.000000e-07 : f32
          %add3A_94 = vector.broadcast %add3A_93 : f32 to vector<16xf32>
          %add3A_95 = arith.addf %max3A_92, %add3A_94 : vector<16xf32>
          %mul3A_96 = arith.mulf %add3A_95, %get3A_32 : vector<16xf32>
          %exp3A_97 = math.exp %mul3A_96 : vector<16xf32>
          %swap3A_98 = arith.index_cast %scan3A_39 : i32 to index
          %swap3A_99 = arith.constant 32 : index
          %swap3A_100 = tpu.vector_load %arg14[%swap3A_98, %swap3A_99] {strides = array<i32>} : memref<80x128xf32, #tpu.memory_space<vmem>>, vector<1x16xf32>,
          %swap3A_101 = vector.shape_cast %swap3A_100 : vector<1x16xf32> to vector<16xf32>
          %swap3A_102 = vector.shape_cast %exp3A_97 : vector<16xf32> to vector<1x16xf32>
          tpu.vector_store %arg14[%swap3A_98, %swap3A_99], %swap3A_102 {strides = array<i32>} : memref<80x128xf32, #tpu.memory_space<vmem>>, vector<1x16xf32>,
          %get3A_103 = arith.index_cast %scan3A_39 : i32 to index
          %get3A_104 = arith.constant 48 : index
          %get3A_105 = tpu.vector_load %arg12[%get3A_103, %get3A_104] {strides = array<i32>} : memref<80x128xf32, #tpu.memory_space<vmem>>, vector<1x16xf32>,
          %get3A_106 = vector.shape_cast %get3A_105 : vector<1x16xf32> to vector<16xf32>
          %get3A_107 = arith.index_cast %scan3A_39 : i32 to index
          %get3A_108 = arith.constant 48 : index
          %get3A_109 = tpu.vector_load %arg13[%get3A_107, %get3A_108] {strides = array<i32>} : memref<80x128xf32, #tpu.memory_space<vmem>>, vector<1x16xf32>,
          %get3A_110 = vector.shape_cast %get3A_109 : vector<1x16xf32> to vector<16xf32>
          %add3A_111 = arith.addf %get3A_106, %get3A_110 : vector<16xf32>
          %max3A_112 = arith.constant 0.000000e+00 : f32
          %max3A_113 = vector.broadcast %max3A_112 : f32 to vector<16xf32>
          %max3A_114 = arith.maximumf %add3A_111, %max3A_113 : vector<16xf32>
          %add3A_115 = arith.constant 1.000000e-07 : f32
          %add3A_116 = vector.broadcast %add3A_115 : f32 to vector<16xf32>
          %add3A_117 = arith.addf %max3A_114, %add3A_116 : vector<16xf32>
          %mul3A_118 = arith.mulf %add3A_117, %get3A_32 : vector<16xf32>
          %exp3A_119 = math.exp %mul3A_118 : vector<16xf32>
          %swap3A_120 = arith.index_cast %scan3A_39 : i32 to index
          %swap3A_121 = arith.constant 48 : index
          %swap3A_122 = tpu.vector_load %arg14[%swap3A_120, %swap3A_121] {strides = array<i32>} : memref<80x128xf32, #tpu.memory_space<vmem>>, vector<1x16xf32>,
          %swap3A_123 = vector.shape_cast %swap3A_122 : vector<1x16xf32> to vector<16xf32>
          %swap3A_124 = vector.shape_cast %exp3A_119 : vector<16xf32> to vector<1x16xf32>
          tpu.vector_store %arg14[%swap3A_120, %swap3A_121], %swap3A_124 {strides = array<i32>} : memref<80x128xf32, #tpu.memory_space<vmem>>, vector<1x16xf32>,
          %get3A_125 = arith.index_cast %scan3A_39 : i32 to index
          %get3A_126 = arith.constant 64 : index
          %get3A_127 = tpu.vector_load %arg12[%get3A_125, %get3A_126] {strides = array<i32>} : memref<80x128xf32, #tpu.memory_space<vmem>>, vector<1x16xf32>,
          %get3A_128 = vector.shape_cast %get3A_127 : vector<1x16xf32> to vector<16xf32>
          %get3A_129 = arith.index_cast %scan3A_39 : i32 to index
          %get3A_130 = arith.constant 64 : index
          %get3A_131 = tpu.vector_load %arg13[%get3A_129, %get3A_130] {strides = array<i32>} : memref<80x128xf32, #tpu.memory_space<vmem>>, vector<1x16xf32>,
          %get3A_132 = vector.shape_cast %get3A_131 : vector<1x16xf32> to vector<16xf32>
          %add3A_133 = arith.addf %get3A_128, %get3A_132 : vector<16xf32>
          %max3A_134 = arith.constant 0.000000e+00 : f32
          %max3A_135 = vector.broadcast %max3A_134 : f32 to vector<16xf32>
          %max3A_136 = arith.maximumf %add3A_133, %max3A_135 : vector<16xf32>
          %add3A_137 = arith.constant 1.000000e-07 : f32
          %add3A_138 = vector.broadcast %add3A_137 : f32 to vector<16xf32>
          %add3A_139 = arith.addf %max3A_136, %add3A_138 : vector<16xf32>
          %mul3A_140 = arith.mulf %add3A_139, %get3A_32 : vector<16xf32>
          %exp3A_141 = math.exp %mul3A_140 : vector<16xf32>
          %swap3A_142 = arith.index_cast %scan3A_39 : i32 to index
          %swap3A_143 = arith.constant 64 : index
          %swap3A_144 = tpu.vector_load %arg14[%swap3A_142, %swap3A_143] {strides = array<i32>} : memref<80x128xf32, #tpu.memory_space<vmem>>, vector<1x16xf32>,
          %swap3A_145 = vector.shape_cast %swap3A_144 : vector<1x16xf32> to vector<16xf32>
          %swap3A_146 = vector.shape_cast %exp3A_141 : vector<16xf32> to vector<1x16xf32>
          tpu.vector_store %arg14[%swap3A_142, %swap3A_143], %swap3A_146 {strides = array<i32>} : memref<80x128xf32, #tpu.memory_space<vmem>>, vector<1x16xf32>,
          %get3A_147 = arith.index_cast %scan3A_39 : i32 to index
          %get3A_148 = arith.constant 80 : index
          %get3A_149 = tpu.vector_load %arg12[%get3A_147, %get3A_148] {strides = array<i32>} : memref<80x128xf32, #tpu.memory_space<vmem>>, vector<1x16xf32>,
          %get3A_150 = vector.shape_cast %get3A_149 : vector<1x16xf32> to vector<16xf32>
          %get3A_151 = arith.index_cast %scan3A_39 : i32 to index
          %get3A_152 = arith.constant 80 : index
          %get3A_153 = tpu.vector_load %arg13[%get3A_151, %get3A_152] {strides = array<i32>} : memref<80x128xf32, #tpu.memory_space<vmem>>, vector<1x16xf32>,
          %get3A_154 = vector.shape_cast %get3A_153 : vector<1x16xf32> to vector<16xf32>
          %add3A_155 = arith.addf %get3A_150, %get3A_154 : vector<16xf32>
          %max3A_156 = arith.constant 0.000000e+00 : f32
          %max3A_157 = vector.broadcast %max3A_156 : f32 to vector<16xf32>
          %max3A_158 = arith.maximumf %add3A_155, %max3A_157 : vector<16xf32>
          %add3A_159 = arith.constant 1.000000e-07 : f32
          %add3A_160 = vector.broadcast %add3A_159 : f32 to vector<16xf32>
          %add3A_161 = arith.addf %max3A_158, %add3A_160 : vector<16xf32>
          %mul3A_162 = arith.mulf %add3A_161, %get3A_32 : vector<16xf32>
          %exp3A_163 = math.exp %mul3A_162 : vector<16xf32>
          %swap3A_164 = arith.index_cast %scan3A_39 : i32 to index
          %swap3A_165 = arith.constant 80 : index
          %swap3A_166 = tpu.vector_load %arg14[%swap3A_164, %swap3A_165] {strides = array<i32>} : memref<80x128xf32, #tpu.memory_space<vmem>>, vector<1x16xf32>,
          %swap3A_167 = vector.shape_cast %swap3A_166 : vector<1x16xf32> to vector<16xf32>
          %swap3A_168 = vector.shape_cast %exp3A_163 : vector<16xf32> to vector<1x16xf32>
          tpu.vector_store %arg14[%swap3A_164, %swap3A_165], %swap3A_168 {strides = array<i32>} : memref<80x128xf32, #tpu.memory_space<vmem>>, vector<1x16xf32>,
          %get3A_169 = arith.index_cast %scan3A_39 : i32 to index
          %get3A_170 = arith.constant 96 : index
          %get3A_171 = tpu.vector_load %arg12[%get3A_169, %get3A_170] {strides = array<i32>} : memref<80x128xf32, #tpu.memory_space<vmem>>, vector<1x16xf32>,
          %get3A_172 = vector.shape_cast %get3A_171 : vector<1x16xf32> to vector<16xf32>
          %get3A_173 = arith.index_cast %scan3A_39 : i32 to index
          %get3A_174 = arith.constant 96 : index
          %get3A_175 = tpu.vector_load %arg13[%get3A_173, %get3A_174] {strides = array<i32>} : memref<80x128xf32, #tpu.memory_space<vmem>>, vector<1x16xf32>,
          %get3A_176 = vector.shape_cast %get3A_175 : vector<1x16xf32> to vector<16xf32>
          %add3A_177 = arith.addf %get3A_172, %get3A_176 : vector<16xf32>
          %max3A_178 = arith.constant 0.000000e+00 : f32
          %max3A_179 = vector.broadcast %max3A_178 : f32 to vector<16xf32>
          %max3A_180 = arith.maximumf %add3A_177, %max3A_179 : vector<16xf32>
          %add3A_181 = arith.constant 1.000000e-07 : f32
          %add3A_182 = vector.broadcast %add3A_181 : f32 to vector<16xf32>
          %add3A_183 = arith.addf %max3A_180, %add3A_182 : vector<16xf32>
          %mul3A_184 = arith.mulf %add3A_183, %get3A_32 : vector<16xf32>
          %exp3A_185 = math.exp %mul3A_184 : vector<16xf32>
          %swap3A_186 = arith.index_cast %scan3A_39 : i32 to index
          %swap3A_187 = arith.constant 96 : index
          %swap3A_188 = tpu.vector_load %arg14[%swap3A_186, %swap3A_187] {strides = array<i32>} : memref<80x128xf32, #tpu.memory_space<vmem>>, vector<1x16xf32>,
          %swap3A_189 = vector.shape_cast %swap3A_188 : vector<1x16xf32> to vector<16xf32>
          %swap3A_190 = vector.shape_cast %exp3A_185 : vector<16xf32> to vector<1x16xf32>
          tpu.vector_store %arg14[%swap3A_186, %swap3A_187], %swap3A_190 {strides = array<i32>} : memref<80x128xf32, #tpu.memory_space<vmem>>, vector<1x16xf32>,
          %get3A_191 = arith.index_cast %scan3A_39 : i32 to index
          %get3A_192 = arith.constant 112 : index
          %get3A_193 = tpu.vector_load %arg12[%get3A_191, %get3A_192] {strides = array<i32>} : memref<80x128xf32, #tpu.memory_space<vmem>>, vector<1x16xf32>,
          %get3A_194 = vector.shape_cast %get3A_193 : vector<1x16xf32> to vector<16xf32>
          %get3A_195 = arith.index_cast %scan3A_39 : i32 to index
          %get3A_196 = arith.constant 112 : index
          %get3A_197 = tpu.vector_load %arg13[%get3A_195, %get3A_196] {strides = array<i32>} : memref<80x128xf32, #tpu.memory_space<vmem>>, vector<1x16xf32>,
          %get3A_198 = vector.shape_cast %get3A_197 : vector<1x16xf32> to vector<16xf32>
          %add3A_199 = arith.addf %get3A_194, %get3A_198 : vector<16xf32>
          %max3A_200 = arith.constant 0.000000e+00 : f32
          %max3A_201 = vector.broadcast %max3A_200 : f32 to vector<16xf32>
          %max3A_202 = arith.maximumf %add3A_199, %max3A_201 : vector<16xf32>
          %add3A_203 = arith.constant 1.000000e-07 : f32
          %add3A_204 = vector.broadcast %add3A_203 : f32 to vector<16xf32>
          %add3A_205 = arith.addf %max3A_202, %add3A_204 : vector<16xf32>
          %mul3A_206 = arith.mulf %add3A_205, %get3A_32 : vector<16xf32>
          %exp3A_207 = math.exp %mul3A_206 : vector<16xf32>
          %swap3A_208 = arith.index_cast %scan3A_39 : i32 to index
          %swap3A_209 = arith.constant 112 : index
          %swap3A_210 = tpu.vector_load %arg14[%swap3A_208, %swap3A_209] {strides = array<i32>} : memref<80x128xf32, #tpu.memory_space<vmem>>, vector<1x16xf32>,
          %swap3A_211 = vector.shape_cast %swap3A_210 : vector<1x16xf32> to vector<16xf32>
          %swap3A_212 = vector.shape_cast %exp3A_207 : vector<16xf32> to vector<1x16xf32>
          tpu.vector_store %arg14[%swap3A_208, %swap3A_209], %swap3A_212 {strides = array<i32>} : memref<80x128xf32, #tpu.memory_space<vmem>>, vector<1x16xf32>,
        }
        %scan3A_38 = arith.constant 80 : i32
        "tpu.region"() ({
          %run_scoped3A = tpu.sem_alloc : memref<!tpu.dma_semaphore, #tpu.memory_space<semaphore_mem>>
          %dma_start3A_39 = arith.constant 0 : i32
          %dma_start3A_40 = arith.constant 0 : i32
          %dma_start3A_41 = tpu.memref_slice %arg16[%dma_start3A_39, %dma_start3A_40] : memref<10000x128xf32, #tpu.memory_space<vmem_shared>> -> memref<10000x128xf32, #tpu.memory_space<vmem_shared>>
          tpu.enqueue_indirect_dma source(%arg14 : memref<80x128xf32, #tpu.memory_space<vmem>>) target(%dma_start3A_41 : memref<10000x128xf32, #tpu.memory_space<vmem_shared>>) offsets(%arg11 : memref<80xi32, #tpu.memory_space<vmem>>) semaphore(%run_scoped3A : memref<!tpu.dma_semaphore, #tpu.memory_space<semaphore_mem>>) {add = true}
          %dma_wait3A_42 = arith.constant 0 : i32
          %dma_wait3A_43 = arith.constant 0 : i32
          %dma_wait3A_44 = tpu.memref_slice %arg16[%dma_wait3A_42, %dma_wait3A_43] : memref<10000x128xf32, #tpu.memory_space<vmem_shared>> -> memref<10000x128xf32, #tpu.memory_space<vmem_shared>>
          tpu.wait_indirect_dma semaphore(%run_scoped3A : memref<!tpu.dma_semaphore, #tpu.memory_space<semaphore_mem>>) src(%arg14 : memref<80x128xf32, #tpu.memory_space<vmem>>) dst(%dma_wait3A_44 : memref<10000x128xf32, #tpu.memory_space<vmem_shared>>)
          tpu.yield
        }) : () -> ()
      }
      %scan3A_16 = arith.constant 250 : i32
      %barrier3A_17 = arith.constant 0 : index
      tpu.barrier barrier_id(%barrier3A_17)
      %eq3A_18 = arith.constant 0 : i32
      %eq3A_19 = arith.cmpi eq, %arg1, %eq3A_18 : i32
      %convert_element_type3A_20 = arith.extui %eq3A_19 : i1 to i32
      %cond3A_21 = arith.constant 0 : i32
      %cond3A_22 = arith.cmpi ne, %convert_element_type3A_20, %cond3A_21 : i32
      scf.if %cond3A_22 {
        "tpu.region"() ({
          %run_scoped3A = tpu.sem_alloc : memref<!tpu.dma_semaphore, #tpu.memory_space<semaphore_mem>>
          tpu.enqueue_dma source(%arg16 : memref<10000x128xf32, #tpu.memory_space<vmem_shared>>) target(%arg8 : memref<10000x128xf32, #tpu.memory_space<hbm>>) target_semaphore(%run_scoped3A : memref<!tpu.dma_semaphore, #tpu.memory_space<semaphore_mem>>)
          tpu.wait_dma2 semaphore(%run_scoped3A : memref<!tpu.dma_semaphore, #tpu.memory_space<semaphore_mem>>) src(%arg16 : memref<10000x128xf32, #tpu.memory_space<vmem_shared>>) dst(%arg8 : memref<10000x128xf32, #tpu.memory_space<hbm>>)
          tpu.yield
        }) : () -> ()
      } else {
      }
    } else {
    }
    %eq3A_7 = arith.constant 1 : i32
    %eq3A_8 = arith.cmpi eq, %arg0, %eq3A_7 : i32
    %convert_element_type3A_9 = arith.extui %eq3A_8 : i1 to i32
    %cond3A_10 = arith.constant 0 : i32
    %cond3A_11 = arith.cmpi ne, %convert_element_type3A_9, %cond3A_10 : i32
    scf.if %cond3A_11 {
      %scan3A = arith.constant 0 : i32
      %scan3A_12 = arith.constant 0 : i32
      %scan3A_13 = arith.constant 250 : i32
      %scan3A_14 = arith.addi %scan3A_12, %scan3A_13 : i32
      %scan3A_15 = arith.constant 1 : i32
      scf.for %scan3A_23 = %scan3A_12 to %scan3A_14 step %scan3A_15  : i32 {
        %mul3A = arith.constant 20000 : i32
        %mul3A_24 = arith.muli %arg1, %mul3A : i32
        %mul3A_25 = arith.constant 80 : i32
        %mul3A_26 = arith.muli %scan3A_23, %mul3A_25 : i32
        %add3A = arith.addi %mul3A_24, %mul3A_26 : i32
        "tpu.region"() ({
          %run_scoped3A = tpu.sem_alloc : memref<!tpu.dma_semaphore, #tpu.memory_space<semaphore_mem>>
          %dma_start3A_39 = tpu.memref_slice %arg2[%add3A] : memref<320000xi32, #tpu.memory_space<hbm>> -> memref<80xi32, #tpu.memory_space<hbm>>
          %dma_start3A_40 = tpu.memref_slice %arg2[%add3A] : memref<320000xi32, #tpu.memory_space<hbm>> -> memref<80xi32, #tpu.memory_space<hbm>>
          tpu.enqueue_dma source(%dma_start3A_40 : memref<80xi32, #tpu.memory_space<hbm>>) target(%arg10 : memref<80xi32, #tpu.memory_space<vmem>>) target_semaphore(%run_scoped3A : memref<!tpu.dma_semaphore, #tpu.memory_space<semaphore_mem>>)
          %dma_wait3A_41 = tpu.memref_slice %arg2[%add3A] : memref<320000xi32, #tpu.memory_space<hbm>> -> memref<80xi32, #tpu.memory_space<hbm>>
          %dma_wait3A_42 = tpu.memref_slice %arg2[%add3A] : memref<320000xi32, #tpu.memory_space<hbm>> -> memref<80xi32, #tpu.memory_space<hbm>>
          tpu.wait_dma2 semaphore(%run_scoped3A : memref<!tpu.dma_semaphore, #tpu.memory_space<semaphore_mem>>) src(%dma_wait3A_42 : memref<80xi32, #tpu.memory_space<hbm>>) dst(%arg10 : memref<80xi32, #tpu.memory_space<vmem>>)
          tpu.yield
        }) : () -> ()
        "tpu.region"() ({
          %run_scoped3A = tpu.sem_alloc : memref<!tpu.dma_semaphore, #tpu.memory_space<semaphore_mem>>
          %dma_start3A_39 = tpu.memref_slice %arg3[%add3A] : memref<320000xi32, #tpu.memory_space<hbm>> -> memref<80xi32, #tpu.memory_space<hbm>>
          %dma_start3A_40 = tpu.memref_slice %arg3[%add3A] : memref<320000xi32, #tpu.memory_space<hbm>> -> memref<80xi32, #tpu.memory_space<hbm>>
          tpu.enqueue_dma source(%dma_start3A_40 : memref<80xi32, #tpu.memory_space<hbm>>) target(%arg11 : memref<80xi32, #tpu.memory_space<vmem>>) target_semaphore(%run_scoped3A : memref<!tpu.dma_semaphore, #tpu.memory_space<semaphore_mem>>)
          %dma_wait3A_41 = tpu.memref_slice %arg3[%add3A] : memref<320000xi32, #tpu.memory_space<hbm>> -> memref<80xi32, #tpu.memory_space<hbm>>
          %dma_wait3A_42 = tpu.memref_slice %arg3[%add3A] : memref<320000xi32, #tpu.memory_space<hbm>> -> memref<80xi32, #tpu.memory_space<hbm>>
          tpu.wait_dma2 semaphore(%run_scoped3A : memref<!tpu.dma_semaphore, #tpu.memory_space<semaphore_mem>>) src(%dma_wait3A_42 : memref<80xi32, #tpu.memory_space<hbm>>) dst(%arg11 : memref<80xi32, #tpu.memory_space<vmem>>)
          tpu.yield
        }) : () -> ()
        %dma_start3A = arith.constant 0 : i32
        %dma_start3A_27 = arith.constant 0 : i32
        %dma_start3A_28 = tpu.memref_slice %arg4[%dma_start3A, %dma_start3A_27] : memref<10000x128xf32, #tpu.memory_space<hbm>> -> memref<10000x128xf32, #tpu.memory_space<hbm>>
        tpu.enqueue_indirect_dma source(%dma_start3A_28 : memref<10000x128xf32, #tpu.memory_space<hbm>>) target(%arg12 : memref<80x128xf32, #tpu.memory_space<vmem>>) offsets(%arg10 : memref<80xi32, #tpu.memory_space<vmem>>) semaphore(%arg17 : memref<!tpu.dma_semaphore, #tpu.memory_space<semaphore_mem>>)
        %dma_wait3A = arith.constant 0 : i32
        %dma_wait3A_29 = arith.constant 0 : i32
        %dma_wait3A_30 = tpu.memref_slice %arg4[%dma_wait3A, %dma_wait3A_29] : memref<10000x128xf32, #tpu.memory_space<hbm>> -> memref<10000x128xf32, #tpu.memory_space<hbm>>
        tpu.wait_indirect_dma semaphore(%arg17 : memref<!tpu.dma_semaphore, #tpu.memory_space<semaphore_mem>>) src(%dma_wait3A_30 : memref<10000x128xf32, #tpu.memory_space<hbm>>) dst(%arg12 : memref<80x128xf32, #tpu.memory_space<vmem>>)
        "tpu.region"() ({
          %run_scoped3A = tpu.sem_alloc : memref<!tpu.dma_semaphore, #tpu.memory_space<semaphore_mem>>
          %dma_start3A_39 = arith.constant 0 : i32
          %dma_start3A_40 = tpu.memref_slice %arg5[%add3A, %dma_start3A_39] : memref<320000x128xf32, #tpu.memory_space<hbm>> -> memref<80x128xf32, #tpu.memory_space<hbm>>
          %dma_start3A_41 = arith.constant 0 : i32
          %dma_start3A_42 = tpu.memref_slice %arg5[%add3A, %dma_start3A_41] : memref<320000x128xf32, #tpu.memory_space<hbm>> -> memref<80x128xf32, #tpu.memory_space<hbm>>
          tpu.enqueue_dma source(%dma_start3A_42 : memref<80x128xf32, #tpu.memory_space<hbm>>) target(%arg13 : memref<80x128xf32, #tpu.memory_space<vmem>>) target_semaphore(%run_scoped3A : memref<!tpu.dma_semaphore, #tpu.memory_space<semaphore_mem>>)
          %dma_wait3A_43 = arith.constant 0 : i32
          %dma_wait3A_44 = tpu.memref_slice %arg5[%add3A, %dma_wait3A_43] : memref<320000x128xf32, #tpu.memory_space<hbm>> -> memref<80x128xf32, #tpu.memory_space<hbm>>
          %dma_wait3A_45 = arith.constant 0 : i32
          %dma_wait3A_46 = tpu.memref_slice %arg5[%add3A, %dma_wait3A_45] : memref<320000x128xf32, #tpu.memory_space<hbm>> -> memref<80x128xf32, #tpu.memory_space<hbm>>
          tpu.wait_dma2 semaphore(%run_scoped3A : memref<!tpu.dma_semaphore, #tpu.memory_space<semaphore_mem>>) src(%dma_wait3A_46 : memref<80x128xf32, #tpu.memory_space<hbm>>) dst(%arg13 : memref<80x128xf32, #tpu.memory_space<vmem>>)
          tpu.yield
        }) : () -> ()
        %get3A = arith.constant 0 : index
        %get3A_31 = tpu.vector_load %arg15[%get3A] {strides = array<i32>} : memref<16xf32, #tpu.memory_space<vmem>>, vector<16xf32>,
        %get3A_32 = vector.shape_cast %get3A_31 : vector<16xf32> to vector<16xf32>
        %scan3A_33 = arith.constant 0 : i32
        %scan3A_34 = arith.constant 0 : i32
        %scan3A_35 = arith.constant 80 : i32
        %scan3A_36 = arith.addi %scan3A_34, %scan3A_35 : i32
        %scan3A_37 = arith.constant 1 : i32
        scf.for %scan3A_39 = %scan3A_34 to %scan3A_36 step %scan3A_37  : i32 {
          %get3A_40 = arith.index_cast %scan3A_39 : i32 to index
          %get3A_41 = arith.constant 0 : index
          %get3A_42 = tpu.vector_load %arg12[%get3A_40, %get3A_41] {strides = array<i32>} : memref<80x128xf32, #tpu.memory_space<vmem>>, vector<1x16xf32>,
          %get3A_43 = vector.shape_cast %get3A_42 : vector<1x16xf32> to vector<16xf32>
          %get3A_44 = arith.index_cast %scan3A_39 : i32 to index
          %get3A_45 = arith.constant 0 : index
          %get3A_46 = tpu.vector_load %arg13[%get3A_44, %get3A_45] {strides = array<i32>} : memref<80x128xf32, #tpu.memory_space<vmem>>, vector<1x16xf32>,
          %get3A_47 = vector.shape_cast %get3A_46 : vector<1x16xf32> to vector<16xf32>
          %add3A_48 = arith.addf %get3A_43, %get3A_47 : vector<16xf32>
          %max3A = arith.constant 0.000000e+00 : f32
          %max3A_49 = vector.broadcast %max3A : f32 to vector<16xf32>
          %max3A_50 = arith.maximumf %add3A_48, %max3A_49 : vector<16xf32>
          %add3A_51 = arith.constant 1.000000e-07 : f32
          %add3A_52 = vector.broadcast %add3A_51 : f32 to vector<16xf32>
          %add3A_53 = arith.addf %max3A_50, %add3A_52 : vector<16xf32>
          %mul3A_54 = arith.mulf %add3A_53, %get3A_32 : vector<16xf32>
          %exp3A = math.exp %mul3A_54 : vector<16xf32>
          %mul3A_55 = arith.mulf %exp3A, %add3A_53 : vector<16xf32>
          %swap3A = arith.index_cast %scan3A_39 : i32 to index
          %swap3A_56 = arith.constant 0 : index
          %swap3A_57 = tpu.vector_load %arg14[%swap3A, %swap3A_56] {strides = array<i32>} : memref<80x128xf32, #tpu.memory_space<vmem>>, vector<1x16xf32>,
          %swap3A_58 = vector.shape_cast %swap3A_57 : vector<1x16xf32> to vector<16xf32>
          %swap3A_59 = vector.shape_cast %mul3A_55 : vector<16xf32> to vector<1x16xf32>
          tpu.vector_store %arg14[%swap3A, %swap3A_56], %swap3A_59 {strides = array<i32>} : memref<80x128xf32, #tpu.memory_space<vmem>>, vector<1x16xf32>,
          %get3A_60 = arith.index_cast %scan3A_39 : i32 to index
          %get3A_61 = arith.constant 16 : index
          %get3A_62 = tpu.vector_load %arg12[%get3A_60, %get3A_61] {strides = array<i32>} : memref<80x128xf32, #tpu.memory_space<vmem>>, vector<1x16xf32>,
          %get3A_63 = vector.shape_cast %get3A_62 : vector<1x16xf32> to vector<16xf32>
          %get3A_64 = arith.index_cast %scan3A_39 : i32 to index
          %get3A_65 = arith.constant 16 : index
          %get3A_66 = tpu.vector_load %arg13[%get3A_64, %get3A_65] {strides = array<i32>} : memref<80x128xf32, #tpu.memory_space<vmem>>, vector<1x16xf32>,
          %get3A_67 = vector.shape_cast %get3A_66 : vector<1x16xf32> to vector<16xf32>
          %add3A_68 = arith.addf %get3A_63, %get3A_67 : vector<16xf32>
          %max3A_69 = arith.constant 0.000000e+00 : f32
          %max3A_70 = vector.broadcast %max3A_69 : f32 to vector<16xf32>
          %max3A_71 = arith.maximumf %add3A_68, %max3A_70 : vector<16xf32>
          %add3A_72 = arith.constant 1.000000e-07 : f32
          %add3A_73 = vector.broadcast %add3A_72 : f32 to vector<16xf32>
          %add3A_74 = arith.addf %max3A_71, %add3A_73 : vector<16xf32>
          %mul3A_75 = arith.mulf %add3A_74, %get3A_32 : vector<16xf32>
          %exp3A_76 = math.exp %mul3A_75 : vector<16xf32>
          %mul3A_77 = arith.mulf %exp3A_76, %add3A_74 : vector<16xf32>
          %swap3A_78 = arith.index_cast %scan3A_39 : i32 to index
          %swap3A_79 = arith.constant 16 : index
          %swap3A_80 = tpu.vector_load %arg14[%swap3A_78, %swap3A_79] {strides = array<i32>} : memref<80x128xf32, #tpu.memory_space<vmem>>, vector<1x16xf32>,
          %swap3A_81 = vector.shape_cast %swap3A_80 : vector<1x16xf32> to vector<16xf32>
          %swap3A_82 = vector.shape_cast %mul3A_77 : vector<16xf32> to vector<1x16xf32>
          tpu.vector_store %arg14[%swap3A_78, %swap3A_79], %swap3A_82 {strides = array<i32>} : memref<80x128xf32, #tpu.memory_space<vmem>>, vector<1x16xf32>,
          %get3A_83 = arith.index_cast %scan3A_39 : i32 to index
          %get3A_84 = arith.constant 32 : index
          %get3A_85 = tpu.vector_load %arg12[%get3A_83, %get3A_84] {strides = array<i32>} : memref<80x128xf32, #tpu.memory_space<vmem>>, vector<1x16xf32>,
          %get3A_86 = vector.shape_cast %get3A_85 : vector<1x16xf32> to vector<16xf32>
          %get3A_87 = arith.index_cast %scan3A_39 : i32 to index
          %get3A_88 = arith.constant 32 : index
          %get3A_89 = tpu.vector_load %arg13[%get3A_87, %get3A_88] {strides = array<i32>} : memref<80x128xf32, #tpu.memory_space<vmem>>, vector<1x16xf32>,
          %get3A_90 = vector.shape_cast %get3A_89 : vector<1x16xf32> to vector<16xf32>
          %add3A_91 = arith.addf %get3A_86, %get3A_90 : vector<16xf32>
          %max3A_92 = arith.constant 0.000000e+00 : f32
          %max3A_93 = vector.broadcast %max3A_92 : f32 to vector<16xf32>
          %max3A_94 = arith.maximumf %add3A_91, %max3A_93 : vector<16xf32>
          %add3A_95 = arith.constant 1.000000e-07 : f32
          %add3A_96 = vector.broadcast %add3A_95 : f32 to vector<16xf32>
          %add3A_97 = arith.addf %max3A_94, %add3A_96 : vector<16xf32>
          %mul3A_98 = arith.mulf %add3A_97, %get3A_32 : vector<16xf32>
          %exp3A_99 = math.exp %mul3A_98 : vector<16xf32>
          %mul3A_100 = arith.mulf %exp3A_99, %add3A_97 : vector<16xf32>
          %swap3A_101 = arith.index_cast %scan3A_39 : i32 to index
          %swap3A_102 = arith.constant 32 : index
          %swap3A_103 = tpu.vector_load %arg14[%swap3A_101, %swap3A_102] {strides = array<i32>} : memref<80x128xf32, #tpu.memory_space<vmem>>, vector<1x16xf32>,
          %swap3A_104 = vector.shape_cast %swap3A_103 : vector<1x16xf32> to vector<16xf32>
          %swap3A_105 = vector.shape_cast %mul3A_100 : vector<16xf32> to vector<1x16xf32>
          tpu.vector_store %arg14[%swap3A_101, %swap3A_102], %swap3A_105 {strides = array<i32>} : memref<80x128xf32, #tpu.memory_space<vmem>>, vector<1x16xf32>,
          %get3A_106 = arith.index_cast %scan3A_39 : i32 to index
          %get3A_107 = arith.constant 48 : index
          %get3A_108 = tpu.vector_load %arg12[%get3A_106, %get3A_107] {strides = array<i32>} : memref<80x128xf32, #tpu.memory_space<vmem>>, vector<1x16xf32>,
          %get3A_109 = vector.shape_cast %get3A_108 : vector<1x16xf32> to vector<16xf32>
          %get3A_110 = arith.index_cast %scan3A_39 : i32 to index
          %get3A_111 = arith.constant 48 : index
          %get3A_112 = tpu.vector_load %arg13[%get3A_110, %get3A_111] {strides = array<i32>} : memref<80x128xf32, #tpu.memory_space<vmem>>, vector<1x16xf32>,
          %get3A_113 = vector.shape_cast %get3A_112 : vector<1x16xf32> to vector<16xf32>
          %add3A_114 = arith.addf %get3A_109, %get3A_113 : vector<16xf32>
          %max3A_115 = arith.constant 0.000000e+00 : f32
          %max3A_116 = vector.broadcast %max3A_115 : f32 to vector<16xf32>
          %max3A_117 = arith.maximumf %add3A_114, %max3A_116 : vector<16xf32>
          %add3A_118 = arith.constant 1.000000e-07 : f32
          %add3A_119 = vector.broadcast %add3A_118 : f32 to vector<16xf32>
          %add3A_120 = arith.addf %max3A_117, %add3A_119 : vector<16xf32>
          %mul3A_121 = arith.mulf %add3A_120, %get3A_32 : vector<16xf32>
          %exp3A_122 = math.exp %mul3A_121 : vector<16xf32>
          %mul3A_123 = arith.mulf %exp3A_122, %add3A_120 : vector<16xf32>
          %swap3A_124 = arith.index_cast %scan3A_39 : i32 to index
          %swap3A_125 = arith.constant 48 : index
          %swap3A_126 = tpu.vector_load %arg14[%swap3A_124, %swap3A_125] {strides = array<i32>} : memref<80x128xf32, #tpu.memory_space<vmem>>, vector<1x16xf32>,
          %swap3A_127 = vector.shape_cast %swap3A_126 : vector<1x16xf32> to vector<16xf32>
          %swap3A_128 = vector.shape_cast %mul3A_123 : vector<16xf32> to vector<1x16xf32>
          tpu.vector_store %arg14[%swap3A_124, %swap3A_125], %swap3A_128 {strides = array<i32>} : memref<80x128xf32, #tpu.memory_space<vmem>>, vector<1x16xf32>,
          %get3A_129 = arith.index_cast %scan3A_39 : i32 to index
          %get3A_130 = arith.constant 64 : index
          %get3A_131 = tpu.vector_load %arg12[%get3A_129, %get3A_130] {strides = array<i32>} : memref<80x128xf32, #tpu.memory_space<vmem>>, vector<1x16xf32>,
          %get3A_132 = vector.shape_cast %get3A_131 : vector<1x16xf32> to vector<16xf32>
          %get3A_133 = arith.index_cast %scan3A_39 : i32 to index
          %get3A_134 = arith.constant 64 : index
          %get3A_135 = tpu.vector_load %arg13[%get3A_133, %get3A_134] {strides = array<i32>} : memref<80x128xf32, #tpu.memory_space<vmem>>, vector<1x16xf32>,
          %get3A_136 = vector.shape_cast %get3A_135 : vector<1x16xf32> to vector<16xf32>
          %add3A_137 = arith.addf %get3A_132, %get3A_136 : vector<16xf32>
          %max3A_138 = arith.constant 0.000000e+00 : f32
          %max3A_139 = vector.broadcast %max3A_138 : f32 to vector<16xf32>
          %max3A_140 = arith.maximumf %add3A_137, %max3A_139 : vector<16xf32>
          %add3A_141 = arith.constant 1.000000e-07 : f32
          %add3A_142 = vector.broadcast %add3A_141 : f32 to vector<16xf32>
          %add3A_143 = arith.addf %max3A_140, %add3A_142 : vector<16xf32>
          %mul3A_144 = arith.mulf %add3A_143, %get3A_32 : vector<16xf32>
          %exp3A_145 = math.exp %mul3A_144 : vector<16xf32>
          %mul3A_146 = arith.mulf %exp3A_145, %add3A_143 : vector<16xf32>
          %swap3A_147 = arith.index_cast %scan3A_39 : i32 to index
          %swap3A_148 = arith.constant 64 : index
          %swap3A_149 = tpu.vector_load %arg14[%swap3A_147, %swap3A_148] {strides = array<i32>} : memref<80x128xf32, #tpu.memory_space<vmem>>, vector<1x16xf32>,
          %swap3A_150 = vector.shape_cast %swap3A_149 : vector<1x16xf32> to vector<16xf32>
          %swap3A_151 = vector.shape_cast %mul3A_146 : vector<16xf32> to vector<1x16xf32>
          tpu.vector_store %arg14[%swap3A_147, %swap3A_148], %swap3A_151 {strides = array<i32>} : memref<80x128xf32, #tpu.memory_space<vmem>>, vector<1x16xf32>,
          %get3A_152 = arith.index_cast %scan3A_39 : i32 to index
          %get3A_153 = arith.constant 80 : index
          %get3A_154 = tpu.vector_load %arg12[%get3A_152, %get3A_153] {strides = array<i32>} : memref<80x128xf32, #tpu.memory_space<vmem>>, vector<1x16xf32>,
          %get3A_155 = vector.shape_cast %get3A_154 : vector<1x16xf32> to vector<16xf32>
          %get3A_156 = arith.index_cast %scan3A_39 : i32 to index
          %get3A_157 = arith.constant 80 : index
          %get3A_158 = tpu.vector_load %arg13[%get3A_156, %get3A_157] {strides = array<i32>} : memref<80x128xf32, #tpu.memory_space<vmem>>, vector<1x16xf32>,
          %get3A_159 = vector.shape_cast %get3A_158 : vector<1x16xf32> to vector<16xf32>
          %add3A_160 = arith.addf %get3A_155, %get3A_159 : vector<16xf32>
          %max3A_161 = arith.constant 0.000000e+00 : f32
          %max3A_162 = vector.broadcast %max3A_161 : f32 to vector<16xf32>
          %max3A_163 = arith.maximumf %add3A_160, %max3A_162 : vector<16xf32>
          %add3A_164 = arith.constant 1.000000e-07 : f32
          %add3A_165 = vector.broadcast %add3A_164 : f32 to vector<16xf32>
          %add3A_166 = arith.addf %max3A_163, %add3A_165 : vector<16xf32>
          %mul3A_167 = arith.mulf %add3A_166, %get3A_32 : vector<16xf32>
          %exp3A_168 = math.exp %mul3A_167 : vector<16xf32>
          %mul3A_169 = arith.mulf %exp3A_168, %add3A_166 : vector<16xf32>
          %swap3A_170 = arith.index_cast %scan3A_39 : i32 to index
          %swap3A_171 = arith.constant 80 : index
          %swap3A_172 = tpu.vector_load %arg14[%swap3A_170, %swap3A_171] {strides = array<i32>} : memref<80x128xf32, #tpu.memory_space<vmem>>, vector<1x16xf32>,
          %swap3A_173 = vector.shape_cast %swap3A_172 : vector<1x16xf32> to vector<16xf32>
          %swap3A_174 = vector.shape_cast %mul3A_169 : vector<16xf32> to vector<1x16xf32>
          tpu.vector_store %arg14[%swap3A_170, %swap3A_171], %swap3A_174 {strides = array<i32>} : memref<80x128xf32, #tpu.memory_space<vmem>>, vector<1x16xf32>,
          %get3A_175 = arith.index_cast %scan3A_39 : i32 to index
          %get3A_176 = arith.constant 96 : index
          %get3A_177 = tpu.vector_load %arg12[%get3A_175, %get3A_176] {strides = array<i32>} : memref<80x128xf32, #tpu.memory_space<vmem>>, vector<1x16xf32>,
          %get3A_178 = vector.shape_cast %get3A_177 : vector<1x16xf32> to vector<16xf32>
          %get3A_179 = arith.index_cast %scan3A_39 : i32 to index
          %get3A_180 = arith.constant 96 : index
          %get3A_181 = tpu.vector_load %arg13[%get3A_179, %get3A_180] {strides = array<i32>} : memref<80x128xf32, #tpu.memory_space<vmem>>, vector<1x16xf32>,
          %get3A_182 = vector.shape_cast %get3A_181 : vector<1x16xf32> to vector<16xf32>
          %add3A_183 = arith.addf %get3A_178, %get3A_182 : vector<16xf32>
          %max3A_184 = arith.constant 0.000000e+00 : f32
          %max3A_185 = vector.broadcast %max3A_184 : f32 to vector<16xf32>
          %max3A_186 = arith.maximumf %add3A_183, %max3A_185 : vector<16xf32>
          %add3A_187 = arith.constant 1.000000e-07 : f32
          %add3A_188 = vector.broadcast %add3A_187 : f32 to vector<16xf32>
          %add3A_189 = arith.addf %max3A_186, %add3A_188 : vector<16xf32>
          %mul3A_190 = arith.mulf %add3A_189, %get3A_32 : vector<16xf32>
          %exp3A_191 = math.exp %mul3A_190 : vector<16xf32>
          %mul3A_192 = arith.mulf %exp3A_191, %add3A_189 : vector<16xf32>
          %swap3A_193 = arith.index_cast %scan3A_39 : i32 to index
          %swap3A_194 = arith.constant 96 : index
          %swap3A_195 = tpu.vector_load %arg14[%swap3A_193, %swap3A_194] {strides = array<i32>} : memref<80x128xf32, #tpu.memory_space<vmem>>, vector<1x16xf32>,
          %swap3A_196 = vector.shape_cast %swap3A_195 : vector<1x16xf32> to vector<16xf32>
          %swap3A_197 = vector.shape_cast %mul3A_192 : vector<16xf32> to vector<1x16xf32>
          tpu.vector_store %arg14[%swap3A_193, %swap3A_194], %swap3A_197 {strides = array<i32>} : memref<80x128xf32, #tpu.memory_space<vmem>>, vector<1x16xf32>,
          %get3A_198 = arith.index_cast %scan3A_39 : i32 to index
          %get3A_199 = arith.constant 112 : index
          %get3A_200 = tpu.vector_load %arg12[%get3A_198, %get3A_199] {strides = array<i32>} : memref<80x128xf32, #tpu.memory_space<vmem>>, vector<1x16xf32>,
          %get3A_201 = vector.shape_cast %get3A_200 : vector<1x16xf32> to vector<16xf32>
          %get3A_202 = arith.index_cast %scan3A_39 : i32 to index
          %get3A_203 = arith.constant 112 : index
          %get3A_204 = tpu.vector_load %arg13[%get3A_202, %get3A_203] {strides = array<i32>} : memref<80x128xf32, #tpu.memory_space<vmem>>, vector<1x16xf32>,
          %get3A_205 = vector.shape_cast %get3A_204 : vector<1x16xf32> to vector<16xf32>
          %add3A_206 = arith.addf %get3A_201, %get3A_205 : vector<16xf32>
          %max3A_207 = arith.constant 0.000000e+00 : f32
          %max3A_208 = vector.broadcast %max3A_207 : f32 to vector<16xf32>
          %max3A_209 = arith.maximumf %add3A_206, %max3A_208 : vector<16xf32>
          %add3A_210 = arith.constant 1.000000e-07 : f32
          %add3A_211 = vector.broadcast %add3A_210 : f32 to vector<16xf32>
          %add3A_212 = arith.addf %max3A_209, %add3A_211 : vector<16xf32>
          %mul3A_213 = arith.mulf %add3A_212, %get3A_32 : vector<16xf32>
          %exp3A_214 = math.exp %mul3A_213 : vector<16xf32>
          %mul3A_215 = arith.mulf %exp3A_214, %add3A_212 : vector<16xf32>
          %swap3A_216 = arith.index_cast %scan3A_39 : i32 to index
          %swap3A_217 = arith.constant 112 : index
          %swap3A_218 = tpu.vector_load %arg14[%swap3A_216, %swap3A_217] {strides = array<i32>} : memref<80x128xf32, #tpu.memory_space<vmem>>, vector<1x16xf32>,
          %swap3A_219 = vector.shape_cast %swap3A_218 : vector<1x16xf32> to vector<16xf32>
          %swap3A_220 = vector.shape_cast %mul3A_215 : vector<16xf32> to vector<1x16xf32>
          tpu.vector_store %arg14[%swap3A_216, %swap3A_217], %swap3A_220 {strides = array<i32>} : memref<80x128xf32, #tpu.memory_space<vmem>>, vector<1x16xf32>,
        }
        %scan3A_38 = arith.constant 80 : i32
        "tpu.region"() ({
          %run_scoped3A = tpu.sem_alloc : memref<!tpu.dma_semaphore, #tpu.memory_space<semaphore_mem>>
          %dma_start3A_39 = arith.constant 0 : i32
          %dma_start3A_40 = arith.constant 0 : i32
          %dma_start3A_41 = tpu.memref_slice %arg16[%dma_start3A_39, %dma_start3A_40] : memref<10000x128xf32, #tpu.memory_space<vmem_shared>> -> memref<10000x128xf32, #tpu.memory_space<vmem_shared>>
          tpu.enqueue_indirect_dma source(%arg14 : memref<80x128xf32, #tpu.memory_space<vmem>>) target(%dma_start3A_41 : memref<10000x128xf32, #tpu.memory_space<vmem_shared>>) offsets(%arg11 : memref<80xi32, #tpu.memory_space<vmem>>) semaphore(%run_scoped3A : memref<!tpu.dma_semaphore, #tpu.memory_space<semaphore_mem>>) {add = true}
          %dma_wait3A_42 = arith.constant 0 : i32
          %dma_wait3A_43 = arith.constant 0 : i32
          %dma_wait3A_44 = tpu.memref_slice %arg16[%dma_wait3A_42, %dma_wait3A_43] : memref<10000x128xf32, #tpu.memory_space<vmem_shared>> -> memref<10000x128xf32, #tpu.memory_space<vmem_shared>>
          tpu.wait_indirect_dma semaphore(%run_scoped3A : memref<!tpu.dma_semaphore, #tpu.memory_space<semaphore_mem>>) src(%arg14 : memref<80x128xf32, #tpu.memory_space<vmem>>) dst(%dma_wait3A_44 : memref<10000x128xf32, #tpu.memory_space<vmem_shared>>)
          tpu.yield
        }) : () -> ()
      }
      %scan3A_16 = arith.constant 250 : i32
      %barrier3A_17 = arith.constant 0 : index
      tpu.barrier barrier_id(%barrier3A_17)
      %eq3A_18 = arith.constant 0 : i32
      %eq3A_19 = arith.cmpi eq, %arg1, %eq3A_18 : i32
      %convert_element_type3A_20 = arith.extui %eq3A_19 : i1 to i32
      %cond3A_21 = arith.constant 0 : i32
      %cond3A_22 = arith.cmpi ne, %convert_element_type3A_20, %cond3A_21 : i32
      scf.if %cond3A_22 {
        "tpu.region"() ({
          %run_scoped3A = tpu.sem_alloc : memref<!tpu.dma_semaphore, #tpu.memory_space<semaphore_mem>>
          tpu.enqueue_dma source(%arg16 : memref<10000x128xf32, #tpu.memory_space<vmem_shared>>) target(%arg9 : memref<10000x128xf32, #tpu.memory_space<hbm>>) target_semaphore(%run_scoped3A : memref<!tpu.dma_semaphore, #tpu.memory_space<semaphore_mem>>)
          tpu.wait_dma2 semaphore(%run_scoped3A : memref<!tpu.dma_semaphore, #tpu.memory_space<semaphore_mem>>) src(%arg16 : memref<10000x128xf32, #tpu.memory_space<vmem_shared>>) dst(%arg9 : memref<10000x128xf32, #tpu.memory_space<hbm>>)
          tpu.yield
        }) : () -> ()
      } else {
      }
    } else {
    }
    return
  }
}

module attributes {stable_mosaic.version = 14 : i64} {
  func.func @_bn_stats_body(%arg0: i32, %arg1: memref<2000x128xf32, #tpu.memory_space<vmem>>, %arg2: memref<1x128xf32, #tpu.memory_space<vmem>>, %arg3: memref<1x128xf32, #tpu.memory_space<vmem>>, %arg4: memref<1x128xf32, #tpu.memory_space<vmem>>, %arg5: memref<1x128xf32, #tpu.memory_space<vmem>>, %arg6: memref<2x128xf32, #tpu.memory_space<vmem>>) attributes {dimension_semantics = [#tpu.dimension_semantics<arbitrary>], iteration_bounds = array<i64: 160>, scalar_prefetch = 0 : i64, scratch_operands = 1 : i64, tpu.core_type = #tpu.core_type<tc>, window_params = [{transform_indices = @transform_0, window_bounds = array<i64: 2000, 128>}, {pipeline_mode = #tpu.pipeline_mode<synchronous>, transform_indices = @transform_1, window_bounds = array<i64: 1, 128>}, {pipeline_mode = #tpu.pipeline_mode<synchronous>, transform_indices = @transform_2, window_bounds = array<i64: 1, 128>}, {pipeline_mode = #tpu.pipeline_mode<synchronous>, transform_indices = @transform_3, window_bounds = array<i64: 1, 128>}, {pipeline_mode = #tpu.pipeline_mode<synchronous>, transform_indices = @transform_4, window_bounds = array<i64: 1, 128>}]} {
    %get3A = arith.constant 0 : index
    %get3A_0 = arith.constant 0 : index
    %get3A_1 = vector.load %arg1[%get3A, %get3A_0] : memref<2000x128xf32, #tpu.memory_space<vmem>>, vector<2000x128xf32>
    %eq3A = arith.constant 0 : i32
    %eq3A_2 = arith.cmpi eq, %arg0, %eq3A : i32
    %convert_element_type3A = arith.extui %eq3A_2 : i1 to i32
    %cond3A = arith.constant 0 : i32
    %cond3A_3 = arith.cmpi ne, %convert_element_type3A, %cond3A : i32
    scf.if %cond3A_3 {
      %broadcast_in_dim3A_25 = arith.constant 0.000000e+00 : f32
      %broadcast_in_dim3A_26 = vector.broadcast %broadcast_in_dim3A_25 : f32 to vector<2x128xf32>
      %swap3A_27 = arith.constant 0 : index
      %swap3A_28 = arith.constant 0 : index
      %swap3A_29 = vector.load %arg6[%swap3A_27, %swap3A_28] : memref<2x128xf32, #tpu.memory_space<vmem>>, vector<2x128xf32>
      tpu.vector_store %arg6[%swap3A_27, %swap3A_28], %broadcast_in_dim3A_26 {strides = array<i32>} : memref<2x128xf32, #tpu.memory_space<vmem>>, vector<2x128xf32>,
    } else {
    }
    %reduce_sum3A = arith.constant dense<0.000000e+00> : vector<128xf32>
    %reduce_sum3A_4 = vector.multi_reduction <add>, %get3A_1, %reduce_sum3A [0] : vector<2000x128xf32> to vector<128xf32>
    %broadcast_in_dim3A = vector.shape_cast %reduce_sum3A_4 : vector<128xf32> to vector<1x128xf32>
    %mul3A = arith.mulf %get3A_1, %get3A_1 : vector<2000x128xf32>
    %reduce_sum3A_5 = arith.constant dense<0.000000e+00> : vector<128xf32>
    %reduce_sum3A_6 = vector.multi_reduction <add>, %mul3A, %reduce_sum3A_5 [0] : vector<2000x128xf32> to vector<128xf32>
    %broadcast_in_dim3A_7 = vector.shape_cast %reduce_sum3A_6 : vector<128xf32> to vector<1x128xf32>
    %get3A_8 = arith.constant 0 : index
    %get3A_9 = arith.constant 0 : index
    %get3A_10 = vector.load %arg6[%get3A_8, %get3A_9] : memref<2x128xf32, #tpu.memory_space<vmem>>, vector<1x128xf32>
    %add3A = arith.addf %get3A_10, %broadcast_in_dim3A : vector<1x128xf32>
    %swap3A = arith.constant 0 : index
    %swap3A_11 = arith.constant 0 : index
    %swap3A_12 = vector.load %arg6[%swap3A, %swap3A_11] : memref<2x128xf32, #tpu.memory_space<vmem>>, vector<1x128xf32>
    tpu.vector_store %arg6[%swap3A, %swap3A_11], %add3A {strides = array<i32>} : memref<2x128xf32, #tpu.memory_space<vmem>>, vector<1x128xf32>,
    %get3A_13 = arith.constant 1 : index
    %get3A_14 = arith.constant 0 : index
    %get3A_15 = vector.load %arg6[%get3A_13, %get3A_14] : memref<2x128xf32, #tpu.memory_space<vmem>>, vector<1x128xf32>
    %add3A_16 = arith.addf %get3A_15, %broadcast_in_dim3A_7 : vector<1x128xf32>
    %swap3A_17 = arith.constant 1 : index
    %swap3A_18 = arith.constant 0 : index
    %swap3A_19 = vector.load %arg6[%swap3A_17, %swap3A_18] : memref<2x128xf32, #tpu.memory_space<vmem>>, vector<1x128xf32>
    tpu.vector_store %arg6[%swap3A_17, %swap3A_18], %add3A_16 {strides = array<i32>} : memref<2x128xf32, #tpu.memory_space<vmem>>, vector<1x128xf32>,
    %eq3A_20 = arith.constant 159 : i32
    %eq3A_21 = arith.cmpi eq, %arg0, %eq3A_20 : i32
    %convert_element_type3A_22 = arith.extui %eq3A_21 : i1 to i32
    %cond3A_23 = arith.constant 0 : i32
    %cond3A_24 = arith.cmpi ne, %convert_element_type3A_22, %cond3A_23 : i32
    scf.if %cond3A_24 {
      %get3A_25 = arith.constant 0 : index
      %get3A_26 = arith.constant 0 : index
      %get3A_27 = vector.load %arg6[%get3A_25, %get3A_26] : memref<2x128xf32, #tpu.memory_space<vmem>>, vector<1x128xf32>
      %div3A = arith.constant 3.200000e+05 : f32
      %div3A_28 = vector.broadcast %div3A : f32 to vector<1x128xf32>
      %div3A_29 = arith.divf %get3A_27, %div3A_28 : vector<1x128xf32>
      %get3A_30 = arith.constant 1 : index
      %get3A_31 = arith.constant 0 : index
      %get3A_32 = vector.load %arg6[%get3A_30, %get3A_31] : memref<2x128xf32, #tpu.memory_space<vmem>>, vector<1x128xf32>
      %div3A_33 = arith.constant 3.200000e+05 : f32
      %div3A_34 = vector.broadcast %div3A_33 : f32 to vector<1x128xf32>
      %div3A_35 = arith.divf %get3A_32, %div3A_34 : vector<1x128xf32>
      %mul3A_36 = arith.mulf %div3A_29, %div3A_29 : vector<1x128xf32>
      %sub3A = arith.subf %div3A_35, %mul3A_36 : vector<1x128xf32>
      %get3A_37 = arith.constant 0 : index
      %get3A_38 = arith.constant 0 : index
      %get3A_39 = vector.load %arg2[%get3A_37, %get3A_38] : memref<1x128xf32, #tpu.memory_space<vmem>>, vector<1x128xf32>
      %add3A_40 = arith.constant 9.99999974E-6 : f32
      %add3A_41 = vector.broadcast %add3A_40 : f32 to vector<1x128xf32>
      %add3A_42 = arith.addf %sub3A, %add3A_41 : vector<1x128xf32>
      %rsqrt3A = math.rsqrt %add3A_42 : vector<1x128xf32>
      %mul3A_43 = arith.mulf %get3A_39, %rsqrt3A : vector<1x128xf32>
      %swap3A_44 = arith.constant 0 : index
      %swap3A_45 = arith.constant 0 : index
      %swap3A_46 = vector.load %arg4[%swap3A_44, %swap3A_45] : memref<1x128xf32, #tpu.memory_space<vmem>>, vector<1x128xf32>
      tpu.vector_store %arg4[%swap3A_44, %swap3A_45], %mul3A_43 {strides = array<i32>} : memref<1x128xf32, #tpu.memory_space<vmem>>, vector<1x128xf32>,
      %get3A_47 = arith.constant 0 : index
      %get3A_48 = arith.constant 0 : index
      %get3A_49 = vector.load %arg3[%get3A_47, %get3A_48] : memref<1x128xf32, #tpu.memory_space<vmem>>, vector<1x128xf32>
      %mul3A_50 = arith.mulf %div3A_29, %mul3A_43 : vector<1x128xf32>
      %sub3A_51 = arith.subf %get3A_49, %mul3A_50 : vector<1x128xf32>
      %swap3A_52 = arith.constant 0 : index
      %swap3A_53 = arith.constant 0 : index
      %swap3A_54 = vector.load %arg5[%swap3A_52, %swap3A_53] : memref<1x128xf32, #tpu.memory_space<vmem>>, vector<1x128xf32>
      tpu.vector_store %arg5[%swap3A_52, %swap3A_53], %sub3A_51 {strides = array<i32>} : memref<1x128xf32, #tpu.memory_space<vmem>>, vector<1x128xf32>,
    } else {
    }
    return
  }
  func.func @transform_0(%arg0: i32) -> (i32, i32) {
    %c0_i32 = arith.constant 0 : i32
    %c0_i32_0 = arith.constant 0 : i32
    return %arg0, %c0_i32 : i32, i32
  }
  func.func @transform_1(%arg0: i32) -> (i32, i32) {
    %c0_i32 = arith.constant 0 : i32
    %c0_i32_0 = arith.constant 0 : i32
    %c0_i32_1 = arith.constant 0 : i32
    return %c0_i32, %c0_i32_0 : i32, i32
  }
  func.func @transform_2(%arg0: i32) -> (i32, i32) {
    %c0_i32 = arith.constant 0 : i32
    %c0_i32_0 = arith.constant 0 : i32
    %c0_i32_1 = arith.constant 0 : i32
    return %c0_i32, %c0_i32_0 : i32, i32
  }
  func.func @transform_3(%arg0: i32) -> (i32, i32) {
    %c0_i32 = arith.constant 0 : i32
    %c0_i32_0 = arith.constant 0 : i32
    %c0_i32_1 = arith.constant 0 : i32
    return %c0_i32, %c0_i32_0 : i32, i32
  }
  func.func @transform_4(%arg0: i32) -> (i32, i32) {
    %c0_i32 = arith.constant 0 : i32
    %c0_i32_0 = arith.constant 0 : i32
    %c0_i32_1 = arith.constant 0 : i32
    return %c0_i32, %c0_i32_0 : i32, i32
  }
}

module attributes {stable_mosaic.version = 14 : i64} {
  func.func @_attr_body(%arg0: i32, %arg1: memref<2000x128xf32, #tpu.memory_space<vmem>>, %arg2: memref<1x128xf32, #tpu.memory_space<vmem>>, %arg3: memref<1x128xf32, #tpu.memory_space<vmem>>, %arg4: memref<128x128xf32, #tpu.memory_space<vmem>>, %arg5: memref<1x128xf32, #tpu.memory_space<vmem>>, %arg6: memref<2000x128xf32, #tpu.memory_space<vmem>>, %arg7: memref<2000x128xf32, #tpu.memory_space<vmem>>) attributes {dimension_semantics = [#tpu.dimension_semantics<arbitrary>], iteration_bounds = array<i64: 160>, scalar_prefetch = 0 : i64, scratch_operands = 0 : i64, tpu.core_type = #tpu.core_type<tc>, window_params = [{transform_indices = @transform_0, window_bounds = array<i64: 2000, 128>}, {pipeline_mode = #tpu.pipeline_mode<synchronous>, transform_indices = @transform_1, window_bounds = array<i64: 1, 128>}, {pipeline_mode = #tpu.pipeline_mode<synchronous>, transform_indices = @transform_2, window_bounds = array<i64: 1, 128>}, {pipeline_mode = #tpu.pipeline_mode<synchronous>, transform_indices = @transform_3, window_bounds = array<i64: 128, 128>}, {pipeline_mode = #tpu.pipeline_mode<synchronous>, transform_indices = @transform_4, window_bounds = array<i64: 1, 128>}, {transform_indices = @transform_5, window_bounds = array<i64: 2000, 128>}, {transform_indices = @transform_6, window_bounds = array<i64: 2000, 128>}]} {
    %get3A = arith.constant 0 : index
    %get3A_0 = arith.constant 0 : index
    %get3A_1 = vector.load %arg1[%get3A, %get3A_0] : memref<2000x128xf32, #tpu.memory_space<vmem>>, vector<2000x128xf32>
    %get3A_2 = arith.constant 0 : index
    %get3A_3 = arith.constant 0 : index
    %get3A_4 = vector.load %arg2[%get3A_2, %get3A_3] : memref<1x128xf32, #tpu.memory_space<vmem>>, vector<1x128xf32>
    %mul3A = vector.broadcast %get3A_4 : vector<1x128xf32> to vector<2000x128xf32>
    %mul3A_5 = arith.mulf %get3A_1, %mul3A : vector<2000x128xf32>
    %get3A_6 = arith.constant 0 : index
    %get3A_7 = arith.constant 0 : index
    %get3A_8 = vector.load %arg3[%get3A_6, %get3A_7] : memref<1x128xf32, #tpu.memory_space<vmem>>, vector<1x128xf32>
    %add3A = vector.broadcast %get3A_8 : vector<1x128xf32> to vector<2000x128xf32>
    %add3A_9 = arith.addf %mul3A_5, %add3A : vector<2000x128xf32>
    %ge3A = arith.constant 0.000000e+00 : f32
    %ge3A_10 = vector.broadcast %ge3A : f32 to vector<2000x128xf32>
    %ge3A_11 = arith.cmpf oge, %add3A_9, %ge3A_10 : vector<2000x128xf32>
    %mul3A_12 = arith.constant 0.00999999977 : f32
    %mul3A_13 = vector.broadcast %mul3A_12 : f32 to vector<2000x128xf32>
    %mul3A_14 = arith.mulf %mul3A_13, %add3A_9 : vector<2000x128xf32>
    %select_n3A = arith.select %ge3A_11, %add3A_9, %mul3A_14 : vector<2000x128xi1>, vector<2000x128xf32>
    %get3A_15 = arith.constant 0 : index
    %get3A_16 = arith.constant 0 : index
    %get3A_17 = vector.load %arg4[%get3A_15, %get3A_16] : memref<128x128xf32, #tpu.memory_space<vmem>>, vector<128x128xf32>
    %dot_general3A = arith.constant dense<0.000000e+00> : vector<2000x128xf32>
    %dot_general3A_18 = tpu.matmul %select_n3A, %get3A_17, %dot_general3A {dimension_numbers = #tpu.dot_dimension_numbers<[1], [1], [0], [0], [0, 0, 1, 0], [], []>, transpose_lhs_hint = false} : vector<2000x128xf32>, vector<128x128xf32>, vector<2000x128xf32> -> vector<2000x128xf32>
    %get3A_19 = arith.constant 0 : index
    %get3A_20 = arith.constant 0 : index
    %get3A_21 = vector.load %arg5[%get3A_19, %get3A_20] : memref<1x128xf32, #tpu.memory_space<vmem>>, vector<1x128xf32>
    %add3A_22 = vector.broadcast %get3A_21 : vector<1x128xf32> to vector<2000x128xf32>
    %add3A_23 = arith.addf %dot_general3A_18, %add3A_22 : vector<2000x128xf32>
    %swap3A = arith.constant 0 : index
    %swap3A_24 = arith.constant 0 : index
    %swap3A_25 = vector.load %arg6[%swap3A, %swap3A_24] : memref<2000x128xf32, #tpu.memory_space<vmem>>, vector<2000x128xf32>
    tpu.vector_store %arg6[%swap3A, %swap3A_24], %add3A_23 {strides = array<i32>} : memref<2000x128xf32, #tpu.memory_space<vmem>>, vector<2000x128xf32>,
    %add3A_26 = arith.addf %add3A_23, %get3A_1 : vector<2000x128xf32>
    %swap3A_27 = arith.constant 0 : index
    %swap3A_28 = arith.constant 0 : index
    %swap3A_29 = vector.load %arg7[%swap3A_27, %swap3A_28] : memref<2000x128xf32, #tpu.memory_space<vmem>>, vector<2000x128xf32>
    tpu.vector_store %arg7[%swap3A_27, %swap3A_28], %add3A_26 {strides = array<i32>} : memref<2000x128xf32, #tpu.memory_space<vmem>>, vector<2000x128xf32>,
    return
  }
  func.func @transform_0(%arg0: i32) -> (i32, i32) {
    %c0_i32 = arith.constant 0 : i32
    %c0_i32_0 = arith.constant 0 : i32
    return %arg0, %c0_i32 : i32, i32
  }
  func.func @transform_1(%arg0: i32) -> (i32, i32) {
    %c0_i32 = arith.constant 0 : i32
    %c0_i32_0 = arith.constant 0 : i32
    %c0_i32_1 = arith.constant 0 : i32
    return %c0_i32, %c0_i32_0 : i32, i32
  }
  func.func @transform_2(%arg0: i32) -> (i32, i32) {
    %c0_i32 = arith.constant 0 : i32
    %c0_i32_0 = arith.constant 0 : i32
    %c0_i32_1 = arith.constant 0 : i32
    return %c0_i32, %c0_i32_0 : i32, i32
  }
  func.func @transform_3(%arg0: i32) -> (i32, i32) {
    %c0_i32 = arith.constant 0 : i32
    %c0_i32_0 = arith.constant 0 : i32
    %c0_i32_1 = arith.constant 0 : i32
    return %c0_i32, %c0_i32_0 : i32, i32
  }
  func.func @transform_4(%arg0: i32) -> (i32, i32) {
    %c0_i32 = arith.constant 0 : i32
    %c0_i32_0 = arith.constant 0 : i32
    %c0_i32_1 = arith.constant 0 : i32
    return %c0_i32, %c0_i32_0 : i32, i32
  }
  func.func @transform_5(%arg0: i32) -> (i32, i32) {
    %c0_i32 = arith.constant 0 : i32
    %c0_i32_0 = arith.constant 0 : i32
    return %arg0, %c0_i32 : i32, i32
  }
  func.func @transform_6(%arg0: i32) -> (i32, i32) {
    %c0_i32 = arith.constant 0 : i32
    %c0_i32_0 = arith.constant 0 : i32
    return %arg0, %c0_i32 : i32, i32
  }
}

module attributes {stable_mosaic.version = 14 : i64} {
  func.func @_gn_body(%arg0: memref<10000x128xf32, #tpu.memory_space<vmem>>, %arg1: memref<1x10000xi32, #tpu.memory_space<vmem>>, %arg2: memref<10000x1xi32, #tpu.memory_space<vmem>>, %arg3: memref<1x128xf32, #tpu.memory_space<vmem>>, %arg4: memref<1x128xf32, #tpu.memory_space<vmem>>, %arg5: memref<1x128xf32, #tpu.memory_space<vmem>>, %arg6: memref<10000x128xf32, #tpu.memory_space<vmem>>) attributes {dimension_semantics = [], scalar_prefetch = 0 : i64, scratch_operands = 0 : i64, tpu.core_type = #tpu.core_type<tc>} {
    %get3A = arith.constant 0 : index
    %get3A_0 = arith.constant 0 : index
    %get3A_1 = vector.load %arg0[%get3A, %get3A_0] : memref<10000x128xf32, #tpu.memory_space<vmem>>, vector<10000x128xf32>
    %get3A_2 = arith.constant 0 : index
    %get3A_3 = arith.constant 0 : index
    %get3A_4 = vector.load %arg1[%get3A_2, %get3A_3] : memref<1x10000xi32, #tpu.memory_space<vmem>>, vector<1x10000xi32>
    %get3A_5 = arith.constant 0 : index
    %get3A_6 = arith.constant 0 : index
    %get3A_7 = vector.load %arg2[%get3A_5, %get3A_6] : memref<10000x1xi32, #tpu.memory_space<vmem>>, vector<10000x1xi32>
    %iota3A = tpu.iota {dimensions = array<i32: 0>} : vector<16x10000xi32>
    %eq3A = vector.broadcast %get3A_4 : vector<1x10000xi32> to vector<16x10000xi32>
    %eq3A_8 = arith.cmpi eq, %iota3A, %eq3A : vector<16x10000xi32>
    %convert_element_type3A = arith.extui %eq3A_8 : vector<16x10000xi1> to vector<16x10000xi32>
    %convert_element_type3A_9 = arith.sitofp %convert_element_type3A : vector<16x10000xi32> to vector<16x10000xf32>
    %iota3A_10 = tpu.iota {dimensions = array<i32: 1>} : vector<10000x16xi32>
    %eq3A_11 = vector.broadcast %get3A_7 : vector<10000x1xi32> to vector<10000x16xi32>
    %eq3A_12 = arith.cmpi eq, %iota3A_10, %eq3A_11 : vector<10000x16xi32>
    %convert_element_type3A_13 = arith.extui %eq3A_12 : vector<10000x16xi1> to vector<10000x16xi32>
    %convert_element_type3A_14 = arith.sitofp %convert_element_type3A_13 : vector<10000x16xi32> to vector<10000x16xf32>
    %reduce_sum3A = arith.constant dense<0.000000e+00> : vector<16xf32>
    %reduce_sum3A_15 = vector.multi_reduction <add>, %convert_element_type3A_9, %reduce_sum3A [1] : vector<16x10000xf32> to vector<16xf32>
    %broadcast_in_dim3A = vector.shape_cast %reduce_sum3A_15 : vector<16xf32> to vector<16x1xf32>
    %max3A = arith.constant 1.000000e+00 : f32
    %max3A_16 = vector.broadcast %max3A : f32 to vector<16x1xf32>
    %max3A_17 = arith.maximumf %broadcast_in_dim3A, %max3A_16 : vector<16x1xf32>
    %dot_general3A = arith.constant dense<0.000000e+00> : vector<16x128xf32>
    %dot_general3A_18 = tpu.matmul %convert_element_type3A_9, %get3A_1, %dot_general3A {dimension_numbers = #tpu.dot_dimension_numbers<[1], [0], [0], [1], [0, 0, 1, 1], [], []>, transpose_lhs_hint = false} : vector<16x10000xf32>, vector<10000x128xf32>, vector<16x128xf32> -> vector<16x128xf32>
    %div3A = vector.broadcast %max3A_17 : vector<16x1xf32> to vector<16x128xf32>
    %div3A_19 = arith.divf %dot_general3A_18, %div3A : vector<16x128xf32>
    %dot_general3A_20 = arith.constant dense<0.000000e+00> : vector<10000x128xf32>
    %dot_general3A_21 = tpu.matmul %convert_element_type3A_14, %div3A_19, %dot_general3A_20 {dimension_numbers = #tpu.dot_dimension_numbers<[1], [0], [0], [1], [0, 0, 1, 1], [], []>, transpose_lhs_hint = false} : vector<10000x16xf32>, vector<16x128xf32>, vector<10000x128xf32> -> vector<10000x128xf32>
    %get3A_22 = arith.constant 0 : index
    %get3A_23 = arith.constant 0 : index
    %get3A_24 = vector.load %arg5[%get3A_22, %get3A_23] : memref<1x128xf32, #tpu.memory_space<vmem>>, vector<1x128xf32>
    %mul3A = vector.broadcast %get3A_24 : vector<1x128xf32> to vector<10000x128xf32>
    %mul3A_25 = arith.mulf %dot_general3A_21, %mul3A : vector<10000x128xf32>
    %sub3A = arith.subf %get3A_1, %mul3A_25 : vector<10000x128xf32>
    %mul3A_26 = arith.mulf %sub3A, %sub3A : vector<10000x128xf32>
    %dot_general3A_27 = arith.constant dense<0.000000e+00> : vector<16x128xf32>
    %dot_general3A_28 = tpu.matmul %convert_element_type3A_9, %mul3A_26, %dot_general3A_27 {dimension_numbers = #tpu.dot_dimension_numbers<[1], [0], [0], [1], [0, 0, 1, 1], [], []>, transpose_lhs_hint = false} : vector<16x10000xf32>, vector<10000x128xf32>, vector<16x128xf32> -> vector<16x128xf32>
    %div3A_29 = vector.broadcast %max3A_17 : vector<16x1xf32> to vector<16x128xf32>
    %div3A_30 = arith.divf %dot_general3A_28, %div3A_29 : vector<16x128xf32>
    %add3A = arith.constant 9.99999974E-6 : f32
    %add3A_31 = vector.broadcast %add3A : f32 to vector<16x128xf32>
    %add3A_32 = arith.addf %div3A_30, %add3A_31 : vector<16x128xf32>
    %rsqrt3A = math.rsqrt %add3A_32 : vector<16x128xf32>
    %dot_general3A_33 = arith.constant dense<0.000000e+00> : vector<10000x128xf32>
    %dot_general3A_34 = tpu.matmul %convert_element_type3A_14, %rsqrt3A, %dot_general3A_33 {dimension_numbers = #tpu.dot_dimension_numbers<[1], [0], [0], [1], [0, 0, 1, 1], [], []>, transpose_lhs_hint = false} : vector<10000x16xf32>, vector<16x128xf32>, vector<10000x128xf32> -> vector<10000x128xf32>
    %get3A_35 = arith.constant 0 : index
    %get3A_36 = arith.constant 0 : index
    %get3A_37 = vector.load %arg3[%get3A_35, %get3A_36] : memref<1x128xf32, #tpu.memory_space<vmem>>, vector<1x128xf32>
    %mul3A_38 = vector.broadcast %get3A_37 : vector<1x128xf32> to vector<10000x128xf32>
    %mul3A_39 = arith.mulf %mul3A_38, %sub3A : vector<10000x128xf32>
    %mul3A_40 = arith.mulf %mul3A_39, %dot_general3A_34 : vector<10000x128xf32>
    %get3A_41 = arith.constant 0 : index
    %get3A_42 = arith.constant 0 : index
    %get3A_43 = vector.load %arg4[%get3A_41, %get3A_42] : memref<1x128xf32, #tpu.memory_space<vmem>>, vector<1x128xf32>
    %add3A_44 = vector.broadcast %get3A_43 : vector<1x128xf32> to vector<10000x128xf32>
    %add3A_45 = arith.addf %mul3A_40, %add3A_44 : vector<10000x128xf32>
    %ge3A = arith.constant 0.000000e+00 : f32
    %ge3A_46 = vector.broadcast %ge3A : f32 to vector<10000x128xf32>
    %ge3A_47 = arith.cmpf oge, %add3A_45, %ge3A_46 : vector<10000x128xf32>
    %mul3A_48 = arith.constant 0.00999999977 : f32
    %mul3A_49 = vector.broadcast %mul3A_48 : f32 to vector<10000x128xf32>
    %mul3A_50 = arith.mulf %mul3A_49, %add3A_45 : vector<10000x128xf32>
    %select_n3A = arith.select %ge3A_47, %add3A_45, %mul3A_50 : vector<10000x128xi1>, vector<10000x128xf32>
    %swap3A = arith.constant 0 : index
    %swap3A_51 = arith.constant 0 : index
    %swap3A_52 = vector.load %arg6[%swap3A, %swap3A_51] : memref<10000x128xf32, #tpu.memory_space<vmem>>, vector<10000x128xf32>
    tpu.vector_store %arg6[%swap3A, %swap3A_51], %select_n3A {strides = array<i32>} : memref<10000x128xf32, #tpu.memory_space<vmem>>, vector<10000x128xf32>,
    return
  }
}

module attributes {stable_mosaic.version = 14 : i64} {
  func.func @_final_body(%arg0: i32, %arg1: memref<2000x128xf32, #tpu.memory_space<vmem>>, %arg2: memref<2000x128xf32, #tpu.memory_space<vmem>>, %arg3: memref<2000x128xf32, #tpu.memory_space<vmem>>, %arg4: memref<2000x128xf32, #tpu.memory_space<vmem>>, %arg5: memref<256x128xf32, #tpu.memory_space<vmem>>, %arg6: memref<1x256xf32, #tpu.memory_space<vmem>>, %arg7: memref<1x256xf32, #tpu.memory_space<vmem>>, %arg8: memref<128x256xf32, #tpu.memory_space<vmem>>, %arg9: memref<2000x128xf32, #tpu.memory_space<vmem>>) attributes {dimension_semantics = [#tpu.dimension_semantics<arbitrary>], iteration_bounds = array<i64: 5>, scalar_prefetch = 0 : i64, scratch_operands = 0 : i64, tpu.core_type = #tpu.core_type<tc>, window_params = [{transform_indices = @transform_0, window_bounds = array<i64: 2000, 128>}, {transform_indices = @transform_1, window_bounds = array<i64: 2000, 128>}, {transform_indices = @transform_2, window_bounds = array<i64: 2000, 128>}, {transform_indices = @transform_3, window_bounds = array<i64: 2000, 128>}, {pipeline_mode = #tpu.pipeline_mode<synchronous>, transform_indices = @transform_4, window_bounds = array<i64: 256, 128>}, {pipeline_mode = #tpu.pipeline_mode<synchronous>, transform_indices = @transform_5, window_bounds = array<i64: 1, 256>}, {pipeline_mode = #tpu.pipeline_mode<synchronous>, transform_indices = @transform_6, window_bounds = array<i64: 1, 256>}, {pipeline_mode = #tpu.pipeline_mode<synchronous>, transform_indices = @transform_7, window_bounds = array<i64: 128, 256>}, {transform_indices = @transform_8, window_bounds = array<i64: 2000, 128>}]} {
    %get3A = arith.constant 0 : index
    %get3A_0 = arith.constant 0 : index
    %get3A_1 = vector.load %arg2[%get3A, %get3A_0] : memref<2000x128xf32, #tpu.memory_space<vmem>>, vector<2000x128xf32>
    %get3A_2 = arith.constant 0 : index
    %get3A_3 = arith.constant 0 : index
    %get3A_4 = vector.load %arg1[%get3A_2, %get3A_3] : memref<2000x128xf32, #tpu.memory_space<vmem>>, vector<2000x128xf32>
    %add3A = arith.constant 1.000000e-16 : f32
    %add3A_5 = vector.broadcast %add3A : f32 to vector<2000x128xf32>
    %add3A_6 = arith.addf %get3A_4, %add3A_5 : vector<2000x128xf32>
    %div3A = arith.divf %get3A_1, %add3A_6 : vector<2000x128xf32>
    %get3A_7 = arith.constant 0 : index
    %get3A_8 = arith.constant 0 : index
    %get3A_9 = vector.load %arg3[%get3A_7, %get3A_8] : memref<2000x128xf32, #tpu.memory_space<vmem>>, vector<2000x128xf32>
    %add3A_10 = arith.addf %div3A, %get3A_9 : vector<2000x128xf32>
    %get3A_11 = arith.constant 0 : index
    %get3A_12 = arith.constant 0 : index
    %get3A_13 = vector.load %arg5[%get3A_11, %get3A_12] : memref<256x128xf32, #tpu.memory_space<vmem>>, vector<256x128xf32>
    %dot_general3A = arith.constant dense<0.000000e+00> : vector<2000x256xf32>
    %dot_general3A_14 = tpu.matmul %add3A_10, %get3A_13, %dot_general3A {dimension_numbers = #tpu.dot_dimension_numbers<[1], [1], [0], [0], [0, 0, 1, 0], [], []>, transpose_lhs_hint = false} : vector<2000x128xf32>, vector<256x128xf32>, vector<2000x256xf32> -> vector<2000x256xf32>
    %reduce_sum3A = arith.constant dense<0.000000e+00> : vector<2000xf32>
    %reduce_sum3A_15 = vector.multi_reduction <add>, %dot_general3A_14, %reduce_sum3A [1] : vector<2000x256xf32> to vector<2000xf32>
    %broadcast_in_dim3A = vector.shape_cast %reduce_sum3A_15 : vector<2000xf32> to vector<2000x1xf32>
    %div3A_16 = arith.constant 2.560000e+02 : f32
    %div3A_17 = vector.broadcast %div3A_16 : f32 to vector<2000x1xf32>
    %div3A_18 = arith.divf %broadcast_in_dim3A, %div3A_17 : vector<2000x1xf32>
    %sub3A = vector.broadcast %div3A_18 : vector<2000x1xf32> to vector<2000x256xf32>
    %sub3A_19 = arith.subf %dot_general3A_14, %sub3A : vector<2000x256xf32>
    %mul3A = arith.mulf %sub3A_19, %sub3A_19 : vector<2000x256xf32>
    %reduce_sum3A_20 = arith.constant dense<0.000000e+00> : vector<2000xf32>
    %reduce_sum3A_21 = vector.multi_reduction <add>, %mul3A, %reduce_sum3A_20 [1] : vector<2000x256xf32> to vector<2000xf32>
    %broadcast_in_dim3A_22 = vector.shape_cast %reduce_sum3A_21 : vector<2000xf32> to vector<2000x1xf32>
    %div3A_23 = arith.constant 2.560000e+02 : f32
    %div3A_24 = vector.broadcast %div3A_23 : f32 to vector<2000x1xf32>
    %div3A_25 = arith.divf %broadcast_in_dim3A_22, %div3A_24 : vector<2000x1xf32>
    %add3A_26 = arith.constant 9.99999974E-6 : f32
    %add3A_27 = vector.broadcast %add3A_26 : f32 to vector<2000x1xf32>
    %add3A_28 = arith.addf %div3A_25, %add3A_27 : vector<2000x1xf32>
    %rsqrt3A = math.rsqrt %add3A_28 : vector<2000x1xf32>
    %mul3A_29 = vector.broadcast %rsqrt3A : vector<2000x1xf32> to vector<2000x256xf32>
    %mul3A_30 = arith.mulf %sub3A_19, %mul3A_29 : vector<2000x256xf32>
    %get3A_31 = arith.constant 0 : index
    %get3A_32 = arith.constant 0 : index
    %get3A_33 = vector.load %arg6[%get3A_31, %get3A_32] : memref<1x256xf32, #tpu.memory_space<vmem>>, vector<1x256xf32>
    %mul3A_34 = vector.broadcast %get3A_33 : vector<1x256xf32> to vector<2000x256xf32>
    %mul3A_35 = arith.mulf %mul3A_30, %mul3A_34 : vector<2000x256xf32>
    %get3A_36 = arith.constant 0 : index
    %get3A_37 = arith.constant 0 : index
    %get3A_38 = vector.load %arg7[%get3A_36, %get3A_37] : memref<1x256xf32, #tpu.memory_space<vmem>>, vector<1x256xf32>
    %add3A_39 = vector.broadcast %get3A_38 : vector<1x256xf32> to vector<2000x256xf32>
    %add3A_40 = arith.addf %mul3A_35, %add3A_39 : vector<2000x256xf32>
    %max3A = arith.constant 0.000000e+00 : f32
    %max3A_41 = vector.broadcast %max3A : f32 to vector<2000x256xf32>
    %max3A_42 = arith.maximumf %add3A_40, %max3A_41 : vector<2000x256xf32>
    %get3A_43 = arith.constant 0 : index
    %get3A_44 = arith.constant 0 : index
    %get3A_45 = vector.load %arg8[%get3A_43, %get3A_44] : memref<128x256xf32, #tpu.memory_space<vmem>>, vector<128x256xf32>
    %dot_general3A_46 = arith.constant dense<0.000000e+00> : vector<2000x128xf32>
    %dot_general3A_47 = tpu.matmul %max3A_42, %get3A_45, %dot_general3A_46 {dimension_numbers = #tpu.dot_dimension_numbers<[1], [1], [0], [0], [0, 0, 1, 0], [], []>, transpose_lhs_hint = false} : vector<2000x256xf32>, vector<128x256xf32>, vector<2000x128xf32> -> vector<2000x128xf32>
    %get3A_48 = arith.constant 0 : index
    %get3A_49 = arith.constant 0 : index
    %get3A_50 = vector.load %arg4[%get3A_48, %get3A_49] : memref<2000x128xf32, #tpu.memory_space<vmem>>, vector<2000x128xf32>
    %add3A_51 = arith.addf %dot_general3A_47, %get3A_50 : vector<2000x128xf32>
    %swap3A = arith.constant 0 : index
    %swap3A_52 = arith.constant 0 : index
    %swap3A_53 = vector.load %arg9[%swap3A, %swap3A_52] : memref<2000x128xf32, #tpu.memory_space<vmem>>, vector<2000x128xf32>
    tpu.vector_store %arg9[%swap3A, %swap3A_52], %add3A_51 {strides = array<i32>} : memref<2000x128xf32, #tpu.memory_space<vmem>>, vector<2000x128xf32>,
    return
  }
  func.func @transform_0(%arg0: i32) -> (i32, i32) {
    %c0_i32 = arith.constant 0 : i32
    %c0_i32_0 = arith.constant 0 : i32
    return %arg0, %c0_i32 : i32, i32
  }
  func.func @transform_1(%arg0: i32) -> (i32, i32) {
    %c0_i32 = arith.constant 0 : i32
    %c0_i32_0 = arith.constant 0 : i32
    return %arg0, %c0_i32 : i32, i32
  }
  func.func @transform_2(%arg0: i32) -> (i32, i32) {
    %c0_i32 = arith.constant 0 : i32
    %c0_i32_0 = arith.constant 0 : i32
    return %arg0, %c0_i32 : i32, i32
  }
  func.func @transform_3(%arg0: i32) -> (i32, i32) {
    %c0_i32 = arith.constant 0 : i32
    %c0_i32_0 = arith.constant 0 : i32
    return %arg0, %c0_i32 : i32, i32
  }
  func.func @transform_4(%arg0: i32) -> (i32, i32) {
    %c0_i32 = arith.constant 0 : i32
    %c0_i32_0 = arith.constant 0 : i32
    %c0_i32_1 = arith.constant 0 : i32
    return %c0_i32, %c0_i32_0 : i32, i32
  }
  func.func @transform_5(%arg0: i32) -> (i32, i32) {
    %c0_i32 = arith.constant 0 : i32
    %c0_i32_0 = arith.constant 0 : i32
    %c0_i32_1 = arith.constant 0 : i32
    return %c0_i32, %c0_i32_0 : i32, i32
  }
  func.func @transform_6(%arg0: i32) -> (i32, i32) {
    %c0_i32 = arith.constant 0 : i32
    %c0_i32_0 = arith.constant 0 : i32
    %c0_i32_1 = arith.constant 0 : i32
    return %c0_i32, %c0_i32_0 : i32, i32
  }
  func.func @transform_7(%arg0: i32) -> (i32, i32) {
    %c0_i32 = arith.constant 0 : i32
    %c0_i32_0 = arith.constant 0 : i32
    %c0_i32_1 = arith.constant 0 : i32
    return %c0_i32, %c0_i32_0 : i32, i32
  }
  func.func @transform_8(%arg0: i32) -> (i32, i32) {
    %c0_i32 = arith.constant 0 : i32
    %c0_i32_0 = arith.constant 0 : i32
    return %arg0, %c0_i32 : i32, i32
  }
}

</mosaic_0001>

<sc_bundles>
// kernel: kernel.7.cloned.1.call-start
scs
__scs_entry_jumppad:
0x0: {  	(pc) =	sbr.rel $0x88, $3  }
0x1: {  	(tag) =	ssettag $0x0;
	lr =	simm.s32 $0x1  }
0x2: {  	[smem:$0x3F91] =	sst lr;
	_ =	strace $0xD0000000  }
0x3: {  	_ = 	snop  }
0x4: {  	_ = 	snop  }
0x5: {  	_ = 	snop  }
0x6: {  	_ = 	snop  }
0x7: {  	_ = 	snop  }
__scs_overlays_trampoline_lowered:
0x8: {  	[smem:$0x3FA0] =	sst s0  }
0x9: {  	[smem:$0x3FA1] =	sst s1  }
0xa: {  	[smem:$0x3FA2] =	sst s2  }
0xb: {  	[smem:$0x3FA3] =	sst s3  }
0xc: {  	[smem:$0x3FA4] =	sst s4  }
0xd: {  	[smem:$0x3FA5] =	sst s5  }
0xe: {  	[smem:$0x3FA6] =	sst s6  }
0xf: {  	[smem:$0x3FA7] =	sst s7  }
0x10: {  	[smem:$0x3FA8] =	sst s8  }
0x11: {  	[smem:$0x3FA9] =	sst s9;
	s0 =	simm.s32 @!p0 $0x0  }
0x12: {  	s1 =	sld [smem:$0x3F8F];
	s0 =	simm.s32 @p0 $0x1  }
0x13: {  	[smem:$0x3FAA] =	sst s0;
	s0 =	simm.s32 @!p1 $0x0  }
0x14: {  	s2 =	sld [smem:$0x3F8E];
	s0 =	simm.s32 @p1 $0x1  }
0x15: {  	[smem:$0x3FAB] =	sst s0;
	s0 =	simm.s32 @!p2 $0x0  }
0x16: {  	s3 =	sld [smem:$0x3FDB];
	s0 =	simm.s32 @p2 $0x1  }
0x17: {  	s4 =	simm.s32 $0x1BF5;
	[smem:$0x3FAD] =	sst s0  }
0x18: {  	s0 =	sld [smem:$0x3F90];
	_ =	swait.ge [sflag:s4], $0x0  }
0x19: {  	s7 =	sld [smem:$0x3F91]  }
0x1a: {  	s8 =	sadd.s32 $0xFFFFE003, lr  }
0x1b: {  	s9 =	sadd.s32 $0xFFFFFEF7, lr;
	s5 =	simm.s32 $0xFFFFFFFF;
	p2 =	slt.u32 s8, $0xFFFFF086  }
0x1c: {  	p1 =	slt.u32 s9, $0xF7A;
	s5 =	simm.s32 @!p2 $0x0  }
0x1d: {  	s5 =	simm.s32 @p1 $0x1;
	p0 =	seq.s32 s7, s2  }
0x1e: {  	s7 =	smul.u32 @!p0 $0xF7A, s2;
	p2 =	seq.s32 @!p0 s5, $0x0  }
0x1f: {  	s9 =	smul.u32 $0xF7A, s1;
	s8 =	simm.s32 @!p0 $0x1BF5;
	p2 =	por !p2, p0  }
0x20: {  	[sflag:s8] =	ssyncset.s32 @!p0 $0xFFFFF086;
	s6 =	sadd.s32 @!p0 s3, s7;
	s7 =	simm.s32 @!p0 $0x108  }
0x21: {  	s3 =	sadd.s32 s3, s9;
	s6 =	sadd.s32 @!p0 $0x88, s6;
	s7 =	simm.s32 @p2 $0x1082  }
0x22: {  	[simem:s7], [sflag:s8] =	dma.local @!p0 [hbm:s6], $0xF7A  }
0x23: {  	s9 =	sor.u32 $0xD0000000, s2;
	s6 =	simm.s32 $0x108;
	_ =	swait.ge @!p0 [sflag:s8], $0x0  }
0x24: {  	s3 =	sadd.s32 $0x88, s3;
	s6 =	simm.s32 @!p1 $0x1082;
	[sflag:s4] =	ssyncset.s32 $0xFFFFF086  }
0x25: {  	[simem:s6], [sflag:s4] =	dma.local [hbm:s3], $0xF7A  }
0x26: {  	[smem:$0x3F91] =	sst s1;
	(tag) =	ssettag s2;
	_ =	strace s9  }
0x27: {  	s1 =	sld [smem:$0x3FA1]  }
0x28: {  	s2 =	sld [smem:$0x3FA2]  }
0x29: {  	s4 =	sld [smem:$0x3FA4]  }
0x2a: {  	p0 =	seq.s32 s5, $0x0;
	s5 =	sld [smem:$0x3FA5]  }
0x2b: {  	s6 =	sld [smem:$0x3FA6]  }
0x2c: {  	s7 =	sld [smem:$0x3FA7]  }
0x2d: {  	s3 =	simm.s32 $0x108;
	s8 =	sld [smem:$0x3FA8]  }
0x2e: {  	s3 =	simm.s32 @!p0 $0x1082;
	s9 =	sld [smem:$0x3FA9]  }
0x2f: {  	lr =	sadd.s32 s0, s3;
	s0 =	sld [smem:$0x3FA0]  }
0x30: {  	s3 =	sld [smem:$0x3FA3]  }
0x31: {  	[smem:$0x3FAC] =	sst s10  }
0x32: {  	s10 =	sld [smem:$0x3FAA];
	_ =	sdelay $0x3  }
0x33: {  	p0 =	seq.s32 s10, $0x1;
	s10 =	sld [smem:$0x3FAC];
	_ =	sdelay $0x3  }
0x34: {  	[smem:$0x3FAC] =	sst s10  }
0x35: {  	s10 =	sld [smem:$0x3FAB];
	_ =	sdelay $0x3  }
0x36: {  	p1 =	seq.s32 s10, $0x1;
	s10 =	sld [smem:$0x3FAC];
	_ =	sdelay $0x3  }
0x37: {  	[smem:$0x3FAC] =	sst s10  }
0x38: {  	s10 =	sld [smem:$0x3FAD]  }
0x39: {  	_ = 	snop;
	(pc) =	sbr.ind lr, $3  }
0x3a: {  	_ = 	snop  }
0x3b: {  	_ = 	snop  }
0x3c: {  	p2 =	seq.s32 s10, $0x1;
	s10 =	sld [smem:$0x3FAC]  }
0x3d: {  	_ =	shalt  }
0x3e: {  	_ =	shalt  }
0x3f: {  	_ =	shalt  }
0x40: {  	_ =	shalt  }
0x41: {  	_ =	shalt  }
0x42: {  	_ =	shalt  }
0x43: {  	_ =	shalt  }
0x44: {  	_ =	shalt  }
0x45: {  	_ =	shalt  }
0x46: {  	_ =	shalt  }
0x47: {  	_ =	shalt  }
0x48: {  	_ =	shalt  }
0x49: {  	_ =	shalt  }
0x4a: {  	_ =	shalt  }
0x4b: {  	_ =	shalt  }
0x4c: {  	_ =	shalt  }
0x4d: {  	_ =	shalt  }
0x4e: {  	_ =	shalt  }
0x4f: {  	_ =	shalt  }
0x50: {  	_ =	shalt  }
0x51: {  	_ =	shalt  }
0x52: {  	_ =	shalt  }
0x53: {  	_ =	shalt  }
0x54: {  	_ =	shalt  }
0x55: {  	_ =	shalt  }
0x56: {  	_ =	shalt  }
0x57: {  	_ =	shalt  }
0x58: {  	_ =	shalt  }
0x59: {  	_ =	shalt  }
0x5a: {  	_ =	shalt  }
0x5b: {  	_ =	shalt  }
0x5c: {  	_ =	shalt  }
0x5d: {  	_ =	shalt  }
0x5e: {  	_ =	shalt  }
0x5f: {  	_ =	shalt  }
0x60: {  	_ =	shalt  }
0x61: {  	_ =	shalt  }
0x62: {  	_ =	shalt  }
0x63: {  	_ =	shalt  }
0x64: {  	_ =	shalt  }
0x65: {  	_ =	shalt  }
0x66: {  	_ =	shalt  }
0x67: {  	_ =	shalt  }
0x68: {  	_ =	shalt  }
0x69: {  	_ =	shalt  }
0x6a: {  	_ =	shalt  }
0x6b: {  	_ =	shalt  }
0x6c: {  	_ =	shalt  }
0x6d: {  	_ =	shalt  }
0x6e: {  	_ =	shalt  }
0x6f: {  	_ =	shalt  }
0x70: {  	_ =	shalt  }
0x71: {  	_ =	shalt  }
0x72: {  	_ =	shalt  }
0x73: {  	_ =	shalt  }
0x74: {  	_ =	shalt  }
0x75: {  	_ =	shalt  }
0x76: {  	_ =	shalt  }
0x77: {  	_ =	shalt  }
0x78: {  	_ =	shalt  }
0x79: {  	_ =	shalt  }
0x7a: {  	_ =	shalt  }
0x7b: {  	_ =	shalt  }
0x7c: {  	_ =	shalt  }
0x7d: {  	_ =	shalt  }
0x7e: {  	_ =	shalt  }
0x7f: {  	_ =	shalt  }
0x80: {  	_ =	shalt  }
0x81: {  	_ =	shalt  }
0x82: {  	_ =	shalt  }
0x83: {  	_ =	shalt  }
0x84: {  	_ =	shalt  }
0x85: {  	_ =	shalt  }
0x86: {  	_ =	shalt  }
0x87: {  	_ =	shalt  }
.Lfunc_end0:
.L_simem_size_0:
called_computation_lowered:
.L_overlay_start_0:
0x88: {  	s2 =	sld [smem:$0x3FD9]  }
0x89: {  	s3 =	sld [smem:$0x3FFE];
	_ =	sdelay $0x1  }
0x8a: {  	s1 =	srdreg.scid  }
0x8b: {  	s0 =	sand.u32 $0x1, s1  }
0x8c: {  	s14 =	sshll.u32 s0, $0xA;
	s2 =	sadd.s32 s3, s2  }
0x8d: {  	s2 =	sadd.s32 s2, s14  }
0x8e: {  	[smem:$0x3FB8] =	sst s2  }
0x8f: {  	_ = 	snop  }
0x90: {  	s2 =	sld [smem:$0x3FD0];
	_ =	sdelay $0x2  }
0x91: {  	s15 =	simm.s32 $0xA;
	s4 =	simm.s32 $0x10  }
0x92: {  	[smem:s4], [sflag:s15] =	dma.local [hbm:s2], $0x1  }
0x93: {  	_ =	swait.eq [sflag:s15], $0x1  }
0x94: {  	[sflag:s15] =	ssyncset.done $0x0  }
0x95: {  	[sflag:s15] =	ssyncadd.s32 $0xFFFFFFFF  }
0x96: {  	s16 =	sld [smem:$0x10];
	(tm) =	ssettm $0x1  }
0x97: {  	s17 =	sld [smem:$0x3FFB];
	_ =	sdelay $0x3  }
0x98: {  	_ =	strace s17  }
0x99: {  	s3 =	sld [smem:$0x3FFC];
	_ =	sdelay $0x3  }
0x9a: {  	_ =	strace s3  }
0x9b: {  	s3 =	sld [smem:$0x3FFD];
	_ =	sdelay $0x3  }
0x9c: {  	_ =	strace s3  }
0x9d: {  	_ =	strace $0x8FFFFFFF  }
0x9e: {  	s18 =	sld [smem:$0x3FDB];
	_ =	sdelay $0x1  }
0x9f: {  	s19 =	simm.s32 $_scs_section_size  }
0xa0: {  	s5 =	simm.s32 $_size__tile_overlayer_lowered;
	s6 =	simm.s32 $_tile_overlayer_lowered  }
0xa1: {  	s22 =	simm.s32 $0x1BFF;
	s21 =	sshll.u32 s6, $0x1;
	s3 =	sadd.s32 s19, s18  }
0xa2: {  	s7 =	simm.s32 $0x0;
	s20 =	sshll.u32 s5, $0x1;
	s5 =	sadd.s32 s21, s3  }
0xa3: {  	[timem:s7], [sflag:s22] =	dma.local [hbm:s5], s20  }
0xa4: {  	_ =	swait.ge [sflag:s22], s20  }
0xa5: {  	s4 =	ssub.s32 $0x0, s20;
	[sflag:s22] =	ssyncset.done $0x0  }
0xa6: {  	[sflag:s22] =	ssyncadd.s32 s4;
	_ =	sdelay $0x1  }
0xa7: {  	s23 =	simm.s32 $0x1B8B  }
0xa8: {  	_ =	swait.ge [sflag:s23], $0x1  }
0xa9: {  	[sflag:s23] =	ssyncset.done $0x0  }
0xaa: {  	s25 =	simm.s32 $0x1B8E;
	s24 =	sld [smem:$0x3FFE];
	[sflag:s23] =	ssyncadd.s32 $0xFFFFFFFF  }
0xab: {  	s26 =	simm.s32 $execute0_lowered;
	[smem:$0x3FD2] =	sst s25  }
0xac: {  	s5 =	sshll.u32 s26, $0x1;
	_ =	strace $0x80000046;
	[dreg:$0x1] =	wrdreg $0xFFFFFFFF  }
0xad: {  	s28 =	simm.s32 $_size_execute0_lowered;
	s3 =	sadd.s32 s3, s5;
	[dreg:$0x0] =	wrdreg $0x0  }
0xae: {  	s5 =	sshll.u32 s28, $0x1;
	[dreg:$0x2] =	wrdreg s3  }
0xaf: {  	[dreg:$0x3] =	wrdreg s5  }
0xb0: {  	[dreg:$0x4] =	wrdreg $0xC0  }
0xb1: {  	_ =	task [dreg:s7], $0x5FFFF  }
0xb2: {  	[dreg:$0x1] =	wrdreg $0xFFFFFFFF  }
0xb3: {  	[dreg:$0x0] =	wrdreg $0x60  }
0xb4: {  	[dreg:$0x2] =	wrdreg s24  }
0xb5: {  	[dreg:$0x3] =	wrdreg s16  }
0xb6: {  	[dreg:$0x4] =	wrdreg $0x79800  }
0xb7: {  	[dreg:$0x5] =	wrdreg $0x9  }
0xb8: {  	_ =	task.clear_ibuf [dreg:s7], $0x6FFFF;
	_ =	strace $0x90000046  }
0xb9: {  	s29 =	simm.s32 $0x9;
	_ =	strace $0x80000048  }
0xba: {  	_ =	swait.ge [sflag:s29], $0x1  }
0xbb: {  	[sflag:s29] =	ssyncadd.s32 $0xFFFFFFFF  }
0xbc: {  	_ =	strace $0x90000048  }
0xbd: {  	_ =	sfence  }
0xbe: {  	s30 =	sld [smem:$0x0];
	_ =	sdelay $0x2  }
0xbf: {  	s31 =	sshll.u32 s1, $0xD;
	s1 =	sshrl.u32 s1, $0x2  }
0xc0: {  	s3 =	sand.u32 $0x4000, s31;
	s1 =	sadd.s32 s1, s30  }
0xc1: {  	s0 =	sor.u32 s3, s0;
	s1 =	sshll.u32 s1, $0x11  }
0xc2: {  	s0 =	sor.u32 s1, s0  }
0xc3: {  	s0 =	sadd.s32 $0x8F2B, s0  }
0xc4: {  	[sflag:s0] =	ssyncadd.remote.s32 $0x1  }
0xc5: {  	_ =	sfence.sel $0xFFFF  }
0xc6: {  	[dreg:$0x0] =	wrdreg $0xFFFFFFFF;
	(pc) =	sbr.abs _section_cstart, $3  }
0xc7: {  	[dreg:$0x1] =	wrdreg $0xFFFFFFFF  }
0xc8: {  	_ =	task.clear_ibuf [dreg:s7], $0x2FFFF;
	_ =	strace $0x9FFFFFFF  }
0xc9: {  	(tm) =	ssettm $0x7FFFFFFF  }
tec
execute0_lowered:
.L_overlay_start_1:
0x0: {  	(tag) =	ssettag $0x1  }
0x1: {  	s10 =	rddreg [dreg:$0x0]  }
0x2: {  	s1 =	rddreg [dreg:$0x1]  }
0x3: {  	s2 =	rddreg [dreg:$0x2]  }
0x4: {  	s0 =	rddreg [dreg:$0x3];
	s3 =	simm.s32 $0x0  }
0x5: {  	s8 =	srdreg.scid;
	s24 =	stileid.u32;
	s14 =	simm.s32 $0x7900  }
0x6: {  	s15 =	simm.s32 $0x2;
	s16 =	simm.s32 $0x80;
	s17 =	simm.s32 $0x50  }
0x7: {  	s18 =	simm.s32 $0x100;
	s19 =	simm.s32 $0x1;
	s20 =	simm.s32 $0x2900  }
0x8: {  	s21 =	simm.s32 $0x5100;
	s23 =	simm.s32 $0x1C02;
	[smem:$0x7FF] =	sst s3  }
0x9: {  	s4 =	sadd.s32 $0xCA00, s10;
	s5 =	sadd.s32 $0x2C00, s10;
	s7 =	sadd.s32 $0x4F8800, s10  }
0xa: {  	s11 =	sand.u32 $0x1, s8;
	s8 =	sadd.s32 $0x4F8A00, s10;
	s9 =	sadd.s32 $0x51FC00, s10  }
.Ltmp0:
0xb: {  	s6 =	sadd.s32 $0x16800, s10;
	s10 =	sadd.s32 $0x546E00, s10;
	(pc) =	sbr.rel .LBB2_1-.Ltmp0, $4  }
0xc: {  	p0 =	sne.s32 s24, $0x0;
	s22 =	sshrl.u32 s2, $0x3;
	s12 =	ssub.s32 $0x2, s11  }
0xd: {  	p2 =	seq.s32 s24, $0x0;
	_ =	strace $0x80000047;
	s13 =	sshrl.u32 s12, $0x1  }
0xe: {  	p1 =	seq.s32 s11, $0x1;
	s11 =	smul.u32 $0x4E20, s24;
	s12 =	ssub.s32 s12, s13  }
0xf: {  	s24 =	simm.s32 $0x0;
	s13 =	sshrl.u32 @!p0 s2, $0x3;
	s12 =	smax.u32 s12, $0x1  }
.LBB2_10:
0x10: {  	[hbm:s25], [sflag:s23] =	dma.local [spmem:s22], $0x27100  }
0x11: {  	_ =	swait.ge [sflag:s15], $0x27100  }
0x12: {  	[sflag:s15] =	ssyncset.done $0x0  }
0x13: {  	[sflag:s15] =	ssyncadd.s32 $0xFFFD8F00  }
.LBB2_11:
0x14: {  	s24 =	sadd.s32 $0x1, s24  }
0x15: {  	p3 =	sne.s32 s24, s12  }
.Ltmp1:
0x16: {  	_ = 	snop;
	(pc) =	sbr.rel @!p3 .LBB2_12-.Ltmp1, $1  }
0x17: {  	_ =	sdelay $0x3  }
.LBB2_1:
0x18: {  	s25 =	simm.s32 @!p0 $0x1C02  }
0x19: {  	[spmem:s13], [sflag:s25] =	dma.local @!p0 [hbm:s8], $0x27100  }
0x1a: {  	s25 =	simm.s32 @!p0 $0x2  }
0x1b: {  	_ =	swait.ge @!p0 [sflag:s25], $0x27100  }
0x1c: {  	[sflag:s25] =	ssyncset.done @!p0 $0x0  }
0x1d: {  	[sflag:s25] =	ssyncadd.s32 @!p0 $0xFFFD8F00  }
0x1e: {  	[tilespmem:s14], [sflag:$0x2] =	stream.linear.gather [hbm4b:s7+s3], $0x80, $0x38;
	[tilespmem:$0x1B200] =	vst v63  }
.Ltmp2:
0x1f: {  	_ =	swait.ge [sflag:s15], $0x80;
	(pc) =	sbr.rel @!p1 .LBB2_2-.Ltmp2, $4  }
0x20: {  	[sflag:s15] =	ssyncset.done $0x0  }
0x21: {  	[sflag:s15] =	ssyncadd.s32 $0xFFFFFF80  }
0x22: {  	[bflag:$0x0] =	sbarrier.arrive $0xFFFF  }
0x23: {  	s26 =	simm.s32 $0x0;
	s25 =	simm.s32 $0x0  }
.LBB2_6:
0x24: {  	s26 =	smul.u32 $0x50, s25;
	_ =	sdelay $0x1  }
0x25: {  	s26 =	sadd.s32 s11, s26  }
0x26: {  	s28 =	sshrl.u32 s26, $0x3  }
0x27: {  	s30 =	simm.s32 $0x0;
	s29 =	sadd.s32 s4, s28  }
0x28: {  	[tilespmem:s30], [sflag:$0x2] =	stream.linear.gather [hbm4b:s29+s30], $0x50, $0x38;
	[tilespmem:$0x1B200] =	vst v63  }
0x29: {  	_ =	swait.ge [sflag:s15], $0x50  }
0x2a: {  	[sflag:s15] =	ssyncset.done $0x0  }
0x2b: {  	s28 =	sadd.s32 s5, s28;
	[sflag:s15] =	ssyncadd.s32 $0xFFFFFFB0  }
0x2c: {  	[tilespmem:s16], [sflag:$0x2] =	stream.linear.gather [hbm4b:s28+s30], $0x50, $0x38;
	[tilespmem:$0x1B200] =	vst v63  }
0x2d: {  	_ =	swait.ge [sflag:s15], $0x50  }
0x2e: {  	[sflag:s15] =	ssyncset.done $0x0  }
0x2f: {  	[sflag:s15] =	ssyncadd.s32 $0xFFFFFFB0  }
0x30: {  	[tilespmem:s18], [sflag:$0x1] =	stream.indirect.gather [hbm4b:s1+s17], $0x80, s30, s17, $0xb8;
	[tilespmem:$0x1B200] =	vst v63  }
0x31: {  	_ =	swait.ge [sflag:s19], $0x2800  }
0x32: {  	s26 =	sshll.u32 s26, $0x4;
	[sflag:s19] =	ssyncset.done $0x0  }
0x33: {  	s26 =	sadd.s32 s6, s26;
	[sflag:s19] =	ssyncadd.s32 $0xFFFFD800  }
0x34: {  	[tilespmem:s20], [sflag:$0x2] =	stream.linear.gather [hbm4b:s26+s30], $0x2800, $0x38;
	[tilespmem:$0x1B200] =	vst v63  }
0x35: {  	_ =	swait.ge [sflag:s15], $0x2800  }
0x36: {  	[sflag:s15] =	ssyncset.done $0x0  }
0x37: {  	[sflag:s15] =	ssyncadd.s32 $0xFFFFD800  }
0x38: {  	s29 =	simm.s32 $0x0;
	v0 =	vld [tilespmem:$0x7900]  }
0x39: {  	v1 =	vld [tilespmem:s29+$0x2970]  }
0x3a: {  	v10 =	vld [tilespmem:s29+$0x2900]  }
0x3b: {  	v2 =	vld [tilespmem:s29+$0x2910]  }
0x3c: {  	v3 =	vld [tilespmem:s29+$0x2920]  }
0x3d: {  	v12 =	vld [tilespmem:s29+$0x2950]  }
0x3e: {  	v4 =	vld [tilespmem:s29+$0x2940]  }
0x3f: {  	v14 =	vld [tilespmem:s29+$0x2960]  }
0x40: {  	v5 =	vld [tilespmem:s29+$0x110]  }
0x41: {  	v7 =	vld [tilespmem:s29+$0x170]  }
0x42: {  	v6 =	vld [tilespmem:s29+$0x130]  }
0x43: {  	v8 =	vld [tilespmem:s29+$0x2930]  }
0x44: {  	v9 =	vld [tilespmem:s29+$0x120]  }
0x45: {  	v13 =	vld [tilespmem:s29+$0x140]  }
0x46: {  	s26 =	simm.s32 $0x80;
	v16 =	vld [tilespmem:s29+$0x160]  }
0x47: {  	v17 =	vld [tilespmem:s26+$0x2970]  }
0x48: {  	v18 =	vld [tilespmem:s26+$0x2910]  }
0x49: {  	v19 =	vld [tilespmem:s26+$0x2920]  }
0x4a: {  	v20 =	vld [tilespmem:s26+$0x170]  }
0x4b: {  	v22 =	vld [tilespmem:s26+$0x130]  }
0x4c: {  	v23 =	vld [tilespmem:s26+$0x140];
	v2 =	vadd.f32 v2, v5  }
0x4d: {  	v5 =	vld [tilespmem:s26+$0x2940];
	v4 =	vadd.f32 v4, v13;
	v3 =	vadd.f32 v3, v9  }
0x4e: {  	v13 =	vld [tilespmem:s26+$0x110];
	v8 =	vadd.f32 v8, v6;
	v1 =	vadd.f32 v1, v7;
	v2 =	vmax.f32 v2, $0.0e+00  }
0x4f: {  	v17 =	vadd.f32 v17, v20;
	v20 =	vld [tilespmem:s29+$0x150];
	v4 =	vmax.f32 v4, $0.0e+00;
	v2 =	vadd.f32 $1.000000010e-07, v2  }
0x50: {  	v14 =	vadd.f32 v14, v16;
	v3 =	vmax.f32 v3, $0.0e+00;
	v6 =	vadd.f32 $1.000000010e-07, v4;
	v4 =	vld [tilespmem:s26+$0x2930]  }
0x51: {  	v24 =	vmax.f32 v8, $0.0e+00;
	v8 =	vadd.f32 $1.000000010e-07, v3;
	v3 =	vld [tilespmem:s26+$0x120];
	v7 =	vmul.f32 v2, v0  }
0x52: {  	v11 =	vld [tilespmem:s26+$0x2900];
	v1 =	vmax.f32 v1, $0.0e+00;
	v14 =	vmax.f32 v14, $0.0e+00;
	v25 =	vmul.f32 v6, v0  }
0x53: {  	v15 =	vld [tilespmem:s26+$0x2950];
	v9 =	vadd.f32 $1.000000010e-07, v1;
	v13 =	vadd.f32 v18, v13;
	v26 =	vmul.f32 $1.442695020e+00, v7  }
0x54: {  	v21 =	vld [tilespmem:s26+$0x2960];
	v12 =	vadd.f32 v12, v20;
	v18 =	vmul.f32 $1.442695020e+00, v25;
	v25 =	vmul.f32 v8, v0  }
0x55: {  	s28 =	simm.s32 $0x100;
	v1 =	vmax.f32 v13, $0.0e+00;
	v13 =	vadd.f32 v5, v23;
	v4 =	vadd.f32 v4, v22;
	v22 =	vld [tilespmem:s29+$0x100]  }
0x56: {  	v28 =	vld [tilespmem:s28+$0x2910];
	v12 =	vmax.f32 v12, $0.0e+00;
	v1 =	vadd.f32 $1.000000010e-07, v1;
	v23 =	vadd.f32 v19, v3  }
0x57: {  	v30 =	vld [tilespmem:s28+$0x2920];
	v19 =	vmul.f32 v9, v0;
	(erf) = vpow2.f32 v26;
	v5 =	vmax.f32 v4, $0.0e+00  }
0x58: {  	v33 =	vld [tilespmem:s28+$0x130];
	v4 =	vmax.f32 v13, $0.0e+00;
	v13 =	vmax.f32 v17, $0.0e+00;
	v17 =	vmul.f32 v1, v0  }
0x59: {  	v34 =	vld [tilespmem:s28+$0x120];
	v25 =	vmul.f32 $1.442695020e+00, v25;
	v19 =	vmul.f32 $1.442695020e+00, v19;
	v4 =	vadd.f32 $1.000000010e-07, v4  }
0x5a: {  	v7 =	vld [tilespmem:s26+$0x160];
	v29 =	vmul.f32 $1.442695020e+00, v17;
	v17 =	vadd.f32 $1.000000010e-07, v24;
	v10 =	vadd.f32 v10, v22  }
0x5b: {  	v26 =	vld [tilespmem:s28+$0x2970];
	(erf) = vpow2.f32 v19;
	v19 =	vadd.f32 $1.000000010e-07, v12;
	v20 =	vmul.f32 v4, v0  }
0x5c: {  	v24 =	vld [tilespmem:s28+$0x170];
	v12 =	vmax.f32 v23, $0.0e+00;
	(erf) = vpow2.f32 v18;
	v10 =	vmax.f32 v10, $0.0e+00  }
0x5d: {  	v23 =	vld [tilespmem:s28+$0x2930];
	(erf) = vpow2.f32 v25;
	v18 =	vmul.f32 $1.442695020e+00, v20;
	v20 =	vadd.f32 $1.000000010e-07, v10  }
0x5e: {  	v14 =	vadd.f32 $1.000000010e-07, v14;
	v22 =	vld [tilespmem:s28+$0x110]  }
0x5f: {  	v3 =	vld [tilespmem:s28+$0x2900];
	v31 =	vmul.f32 v20, v0  }
0x60: {  	v37 =	vmul.f32 v14, v0;
	v12 =	vadd.f32 $1.000000010e-07, v12;
	v16 =	vmul.f32 v19, v0;
	v25 =	vld [tilespmem:s28+$0x2940]  }
0x61: {  	v13 =	vadd.f32 $1.000000010e-07, v13;
	v38 =	vmul.f32 v17, v0;
	v36 =	vmul.f32 $1.442695020e+00, v31;
	v31 =	vld [tilespmem:s28+$0x140]  }
0x62: {  	v27 =	vmul.f32 v12, v0;
	v35 =	vmul.f32 $1.442695020e+00, v16;
	v16 =	vld [tilespmem:s28+$0x2960];
	v26 =	vadd.f32 v26, v24  }
0x63: {  	(erf) = vpow2.f32 v29;
	v23 =	vadd.f32 v23, v33;
	v32 =	vadd.f32 v28, v22;
	v24 =	vpop (erf);
	v22 =	vld [tilespmem:s28+$0x160]  }
0x64: {  	v10 =	vld [tilespmem:s28+$0x2950];
	v28 =	vadd.f32 v30, v34;
	v34 =	vmul.f32 $1.442695020e+00, v37;
	(erf) = vpow2.f32 v35;
	v29 =	vpop (erf)  }
0x65: {  	s30 =	simm.s32 $0x600;
	v30 =	vld [tilespmem:s26+$0x150];
	v35 =	vmul.f32 $1.442695020e+00, v38;
	v23 =	vmax.f32 v23, $0.0e+00;
	v33 =	vpop (erf);
	(erf) = vpow2.f32 v36  }
.LBB2_7:
0x66: {  	s31 =	sshra.s32 s30, $0x2;
	p3 =	sne.s32 s30, $0x9E00;
	s30 =	sadd.s32 $0x200, s30;
	v32 =	vmax.f32 v32, $0.0e+00;
	v25 =	vadd.f32 v25, v31;
	v31 =	vld [tilespmem:s26+$0x100];
	v36 =	vpop (erf);
	(erf) = vpow2.f32 v34  }
0x67: {  	v33 =	vmul.f32 v33, v6;
	v6 =	vmovc v4;
	v37 =	vmovc v16;
	v34 =	vld [tilespmem:s31+$0x2970];
	v32 =	vadd.f32 $1.000000010e-07, v32;
	(erf) = vpow2.f32 v35  }
0x68: {  	v16 =	vmax.f32 v26, $0.0e+00;
	v26 =	vmovc v7;
	v7 =	vmovc v22;
	v35 =	vld [tilespmem:s31+$0x2900];
	v4 =	vmax.f32 v25, $0.0e+00;
	v25 =	vmul.f32 v13, v0  }
0x69: {  	v27 =	vmul.f32 $1.442695020e+00, v27;
	v22 =	vld [tilespmem:s31+$0x2910];
	v38 =	vmul.f32 v32, v0;
	v4 =	vadd.f32 $1.000000010e-07, v4;
	[tilespmem:s29+$0x5140] =	vst v33  }
0x6a: {  	v36 =	vmul.f32 v36, v8;
	v8 =	vmovc v12;
	v33 =	vadd.f32 $1.000000010e-07, v16;
	v39 =	vld [tilespmem:s31+$0x2920];
	v16 =	vmul.f32 $1.442695020e+00, v25  }
0x6b: {  	v41 =	vadd.f32 $1.000000010e-07, v5;
	v29 =	vmul.f32 v29, v9;
	v9 =	vmovc v13;
	v5 =	vmovc v23;
	v40 =	vld [tilespmem:s31+$0x2950];
	v38 =	vmul.f32 $1.442695020e+00, v38  }
0x6c: {  	v13 =	vmul.f32 v4, v0;
	v11 =	vadd.f32 v11, v31;
	v25 =	vld [tilespmem:s31+$0x2940];
	v42 =	vpop (erf);
	(erf) = vpow2.f32 v16;
	[tilespmem:s29+$0x5120] =	vst v36  }
0x6d: {  	v21 =	vadd.f32 v21, v26;
	v15 =	vadd.f32 v15, v30;
	v16 =	vld [tilespmem:s31+$0x2960];
	(erf) = vpow2.f32 v18;
	[tilespmem:s29+$0x5170] =	vst v29;
	v12 =	vpop (erf)  }
0x6e: {  	v26 =	vmax.f32 v28, $0.0e+00;
	v18 =	vmul.f32 $1.442695020e+00, v13;
	v23 =	vld [tilespmem:s31+$0x110];
	v31 =	vmul.f32 v12, v19;
	v19 =	vpop (erf)  }
0x6f: {  	v15 =	vmax.f32 v15, $0.0e+00;
	v12 =	vadd.f32 $1.000000010e-07, v26;
	v28 =	vld [tilespmem:s31+$0x170];
	v26 =	vmul.f32 v19, v20;
	v29 =	vpop (erf)  }
0x70: {  	v44 =	vmax.f32 v11, $0.0e+00;
	v19 =	vadd.f32 $1.000000010e-07, v15;
	v30 =	vld [tilespmem:s31+$0x130];
	(erf) = vpow2.f32 v27;
	[tilespmem:s29+$0x5150] =	vst v31;
	v13 =	vpop (erf)  }
0x71: {  	v20 =	vadd.f32 $1.000000010e-07, v44;
	v15 =	vmul.f32 v24, v2;
	v2 =	vmovc v1;
	v27 =	vmul.f32 v12, v0;
	v36 =	vld [tilespmem:s31+$0x2930];
	[tilespmem:s29+$0x5100] =	vst v26  }
0x72: {  	v21 =	vmax.f32 v21, $0.0e+00;
	v1 =	vmovc v32;
	v11 =	vmovc v3;
	v43 =	vmul.f32 v19, v0;
	v44 =	vmul.f32 v13, v17;
	v24 =	vld [tilespmem:s31+$0x120]  }
0x73: {  	v3 =	vmovc v35;
	v45 =	vmul.f32 v29, v14;
	v14 =	vadd.f32 $1.000000010e-07, v21;
	v17 =	vmul.f32 v20, v0;
	v31 =	vld [tilespmem:s31+$0x140];
	[tilespmem:s29+$0x5110] =	vst v15  }
.Ltmp3:
0x74: {  	v13 =	vmovc v33;
	v32 =	vadd.f32 v22, v23;
	v21 =	vmul.f32 $1.442695020e+00, v43;
	v22 =	vld [tilespmem:s31+$0x160];
	v26 =	vadd.f32 v34, v28;
	[tilespmem:s29+$0x5130] =	vst v44;
	(pc) =	sbr.rel @p3 .LBB2_7-.Ltmp3, $4  }
0x75: {  	v43 =	vmul.f32 $1.442695020e+00, v17;
	v15 =	vmov v10;
	v44 =	vmul.f32 v14, v0;
	v29 =	vpop (erf);
	[tilespmem:s29+$0x5160] =	vst v45;
	s29 =	smov.u32 s26;
	s26 =	smov.u32 s28;
	s28 =	smov.u32 s31  }
0x76: {  	v35 =	vmul.f32 v41, v0;
	v23 =	vadd.f32 v36, v30;
	(erf) = vpow2.f32 v38;
	v33 =	vpop (erf)  }
0x77: {  	v10 =	vmovc v40;
	v17 =	vmovc v41;
	v34 =	vmul.f32 $1.442695020e+00, v44;
	v28 =	vadd.f32 v39, v24;
	(erf) = vpow2.f32 v21  }
0x78: {  	v35 =	vmul.f32 $1.442695020e+00, v35;
	v24 =	vmovc v42;
	v21 =	vmovc v37;
	v23 =	vmax.f32 v23, $0.0e+00;
	v30 =	vld [tilespmem:s26+$0x150];
	(erf) = vpow2.f32 v43  }
0x79: {  	v32 =	vmax.f32 v32, $0.0e+00;
	(erf) = vpow2.f32 v34;
	v47 =	vmul.f32 v13, v0  }
0x7a: {  	v31 =	vadd.f32 v25, v31;
	v6 =	vmul.f32 v33, v6;
	(erf) = vpow2.f32 v35  }
0x7b: {  	v27 =	vmul.f32 $1.442695020e+00, v27;
	v9 =	vmul.f32 v29, v9;
	v7 =	vadd.f32 v21, v7  }
0x7c: {  	v49 =	vpop (erf);
	v53 =	vmax.f32 v28, $0.0e+00;
	v2 =	vmul.f32 v24, v2;
	v25 =	vadd.f32 $1.000000010e-07, v32  }
0x7d: {  	v5 =	vadd.f32 $1.000000010e-07, v5;
	v42 =	vadd.f32 $1.000000010e-07, v23;
	v8 =	vmul.f32 v49, v8  }
0x7e: {  	v46 =	vld [tilespmem:s26+$0x100];
	v31 =	vmax.f32 v31, $0.0e+00;
	v32 =	vmul.f32 $1.442695020e+00, v47;
	v48 =	vmul.f32 v25, v0  }
0x7f: {  	v45 =	vmul.f32 v42, v0;
	v31 =	vadd.f32 $1.000000010e-07, v31;
	[tilespmem:s29+$0x5120] =	vst v8;
	v8 =	vadd.f32 $1.000000010e-07, v53;
	v34 =	vpop (erf)  }
0x80: {  	[tilespmem:s29+$0x5140] =	vst v6;
	v51 =	vadd.f32 v15, v30;
	v30 =	vmul.f32 v5, v0;
	v33 =	vmul.f32 $1.442695020e+00, v48;
	v52 =	vpop (erf)  }
0x81: {  	[tilespmem:s29+$0x5170] =	vst v9;
	v7 =	vmax.f32 v7, $0.0e+00;
	v50 =	vmul.f32 v31, v0;
	v15 =	vmul.f32 v52, v19;
	v54 =	vpop (erf)  }
0x82: {  	[tilespmem:s29+$0x5110] =	vst v2;
	v7 =	vadd.f32 $1.000000010e-07, v7;
	v63 =	vmul.f32 v8, v0;
	v55 =	vmul.f32 v54, v20;
	v56 =	vpop (erf)  }
0x83: {  	v11 =	vadd.f32 v11, v46;
	(erf) = vpow2.f32 v32;
	[tilespmem:s29+$0x5150] =	vst v15;
	v57 =	vpop (erf);
	v60 =	vmul.f32 v56, v14  }
0x84: {  	v6 =	vmax.f32 v51, $0.0e+00;
	(erf) = vpow2.f32 v18;
	[tilespmem:s29+$0x5100] =	vst v55;
	v58 =	vmul.f32 v57, v17  }
0x85: {  	v11 =	vmax.f32 v11, $0.0e+00;
	v6 =	vadd.f32 $1.000000010e-07, v6;
	v61 =	vmul.f32 $1.442695020e+00, v50;
	[tilespmem:s29+$0x5160] =	vst v60  }
0x86: {  	v9 =	vmul.f32 $1.442695020e+00, v63;
	(erf) = vpow2.f32 v27;
	v11 =	vadd.f32 $1.000000010e-07, v11;
	[tilespmem:s29+$0x5130] =	vst v58  }
0x87: {  	v29 =	vmax.f32 v26, $0.0e+00;
	v1 =	vmul.f32 v34, v1;
	v59 =	vmul.f32 v6, v0;
	v28 =	vld [tilespmem:s28+$0x150]  }
0x88: {  	v27 =	vmul.f32 v7, v0;
	v19 =	vadd.f32 $1.000000010e-07, v29;
	v62 =	vmul.f32 v11, v0;
	v32 =	vld [tilespmem:s28+$0x100]  }
0x89: {  	(erf) = vpow2.f32 v33;
	v15 =	vmul.f32 $1.442695020e+00, v59  }
0x8a: {  	v36 =	vmul.f32 v19, v0;
	v24 =	vmul.f32 $1.442695020e+00, v62  }
0x8b: {  	v39 =	vadd.f32 v16, v22;
	v17 =	vmul.f32 $1.442695020e+00, v27;
	(erf) = vpow2.f32 v15  }
0x8c: {  	v20 =	vmul.f32 $1.442695020e+00, v30;
	(erf) = vpow2.f32 v24;
	v33 =	vpop (erf);
	v37 =	vadd.f32 v10, v28  }
0x8d: {  	(erf) = vpow2.f32 v17;
	v17 =	vmul.f32 $1.442695020e+00, v36;
	v35 =	vpop (erf);
	v3 =	vadd.f32 v3, v32  }
0x8e: {  	(erf) = vpow2.f32 v20;
	v2 =	vmul.f32 v35, v4;
	v4 =	vmax.f32 v37, $0.0e+00  }
0x8f: {  	v38 =	vpop (erf);
	(erf) = vpow2.f32 v17;
	v3 =	vmax.f32 v3, $0.0e+00;
	v4 =	vadd.f32 $1.000000010e-07, v4  }
0x90: {  	v10 =	vmul.f32 v38, v12;
	v12 =	vmax.f32 v39, $0.0e+00;
	v3 =	vadd.f32 $1.000000010e-07, v3  }
0x91: {  	(erf) = vpow2.f32 v61;
	v12 =	vadd.f32 $1.000000010e-07, v12;
	v41 =	vmul.f32 v4, v0  }
0x92: {  	v40 =	vmul.f32 v33, v13;
	v43 =	vmul.f32 v3, v0  }
0x93: {  	v44 =	vmul.f32 v12, v0;
	v14 =	vmul.f32 $1.442695020e+00, v41  }
0x94: {  	v46 =	vpop (erf);
	(erf) = vpow2.f32 v9;
	v9 =	vmul.f32 $1.442695020e+00, v43  }
0x95: {  	[tilespmem:s26+$0x5110] =	vst v1;
	v47 =	vpop (erf);
	v16 =	vmul.f32 $1.442695020e+00, v44;
	(erf) = vpow2.f32 v14  }
0x96: {  	[tilespmem:s26+$0x5170] =	vst v40;
	v48 =	vpop (erf);
	v0 =	vmul.f32 $1.442695020e+00, v45;
	(erf) = vpow2.f32 v9  }
0x97: {  	[tilespmem:s26+$0x5140] =	vst v2;
	v2 =	vmul.f32 v47, v6;
	v49 =	vpop (erf);
	(erf) = vpow2.f32 v16  }
0x98: {  	[tilespmem:s26+$0x5120] =	vst v10;
	v6 =	vmul.f32 v48, v11;
	v50 =	vpop (erf);
	(erf) = vpow2.f32 v0  }
0x99: {  	[tilespmem:s26+$0x5150] =	vst v2;
	v52 =	vmul.f32 v49, v7;
	v51 =	vpop (erf)  }
0x9a: {  	[tilespmem:s26+$0x5100] =	vst v6;
	v53 =	vpop (erf);
	v0 =	vmul.f32 v50, v5  }
0x9b: {  	[tilespmem:s26+$0x5160] =	vst v52;
	v5 =	vmul.f32 v53, v31  }
0x9c: {  	v55 =	vmul.f32 v51, v19;
	[tilespmem:s26+$0x5130] =	vst v0  }
0x9d: {  	v62 =	vmul.f32 v46, v25;
	v54 =	vpop (erf);
	[tilespmem:s28+$0x5140] =	vst v5  }
0x9e: {  	v0 =	vmul.f32 v54, v8;
	[tilespmem:s28+$0x5170] =	vst v55;
	v56 =	vpop (erf)  }
0x9f: {  	[tilespmem:s28+$0x5110] =	vst v62;
	v57 =	vmul.f32 v56, v4;
	v58 =	vpop (erf)  }
0xa0: {  	[tilespmem:s28+$0x5120] =	vst v0;
	v59 =	vmul.f32 v58, v3;
	v60 =	vpop (erf)  }
0xa1: {  	[tilespmem:s28+$0x5150] =	vst v57;
	v61 =	vpop (erf);
	v63 =	vmul.f32 v60, v12  }
0xa2: {  	s25 =	sadd.s32 $0x1, s25;
	[tilespmem:s28+$0x5100] =	vst v59;
	v0 =	vmul.f32 v61, v42  }
0xa3: {  	p3 =	sne.s32 s25, $0xFA;
	[tilespmem:s28+$0x5160] =	vst v63  }
.Ltmp4:
0xa4: {  	[tilespmem:s28+$0x5130] =	vst v0;
	(pc) =	sbr.rel @p3 .LBB2_6-.Ltmp4, $4  }
0xa5: {  	[spmem:s2] =	stream.indirect.scatter.add.f32 [tilespmem:s21], [sflag:$0x2], $0x80, s16, s17, $0xb8;
	[tilespmem:$0x1B200] =	vst v63  }
0xa6: {  	_ =	swait.ge [sflag:s15], $0x2800  }
0xa7: {  	[sflag:s15] =	ssyncset.done $0x0  }
0xa8: {  	[sflag:s15] =	ssyncadd.s32 $0xFFFFD800  }
.Ltmp5:
0xa9: {  	(pc) =	sbr.rel @p0 .LBB2_11-.Ltmp5, $4  }
.Ltmp6:
0xaa: {  	(pc) =	sbr.rel @!p0 .LBB2_10-.Ltmp6, $4  }
0xab: {  	_ = 	snop  }
0xac: {  	[bflag:$0x0] =	sbarrier.arrive $0xFFFF  }
0xad: {  	s25 =	smov.u32 s10  }
0xae: {  	_ = 	snop  }
.LBB2_2:
0xaf: {  	s25 =	smul.u32 $0x50, s26;
	_ =	sdelay $0x1  }
0xb0: {  	s25 =	sadd.s32 s11, s25  }
0xb1: {  	s28 =	sshrl.u32 s25, $0x3  }
0xb2: {  	s30 =	simm.s32 $0x0;
	s29 =	sadd.s32 s4, s28  }
0xb3: {  	[tilespmem:s30], [sflag:$0x2] =	stream.linear.gather [hbm4b:s29+s30], $0x50, $0x38;
	[tilespmem:$0x1B200] =	vst v63  }
0xb4: {  	_ =	swait.ge [sflag:s15], $0x50  }
0xb5: {  	[sflag:s15] =	ssyncset.done $0x0  }
0xb6: {  	s28 =	sadd.s32 s5, s28;
	[sflag:s15] =	ssyncadd.s32 $0xFFFFFFB0  }
0xb7: {  	[tilespmem:s16], [sflag:$0x2] =	stream.linear.gather [hbm4b:s28+s30], $0x50, $0x38;
	[tilespmem:$0x1B200] =	vst v63  }
0xb8: {  	_ =	swait.ge [sflag:s15], $0x50  }
0xb9: {  	[sflag:s15] =	ssyncset.done $0x0  }
0xba: {  	[sflag:s15] =	ssyncadd.s32 $0xFFFFFFB0  }
0xbb: {  	[tilespmem:s18], [sflag:$0x1] =	stream.indirect.gather [hbm4b:s1+s17], $0x80, s30, s17, $0xb8;
	[tilespmem:$0x1B200] =	vst v63  }
0xbc: {  	_ =	swait.ge [sflag:s19], $0x2800  }
0xbd: {  	s25 =	sshll.u32 s25, $0x4;
	[sflag:s19] =	ssyncset.done $0x0  }
0xbe: {  	s25 =	sadd.s32 s6, s25;
	[sflag:s19] =	ssyncadd.s32 $0xFFFFD800  }
0xbf: {  	[tilespmem:s20], [sflag:$0x2] =	stream.linear.gather [hbm4b:s25+s30], $0x2800, $0x38;
	[tilespmem:$0x1B200] =	vst v63  }
0xc0: {  	_ =	swait.ge [sflag:s15], $0x2800  }
0xc1: {  	[sflag:s15] =	ssyncset.done $0x0  }
0xc2: {  	[sflag:s15] =	ssyncadd.s32 $0xFFFFD800  }
0xc3: {  	s28 =	simm.s32 $0x0;
	v0 =	vld [tilespmem:$0x7900]  }
0xc4: {  	v1 =	vld [tilespmem:s28+$0x170]  }
0xc5: {  	v2 =	vld [tilespmem:s28+$0x2970]  }
0xc6: {  	v3 =	vld [tilespmem:s28+$0x100]  }
0xc7: {  	v4 =	vld [tilespmem:s28+$0x2900]  }
0xc8: {  	v5 =	vld [tilespmem:s28+$0x110]  }
0xc9: {  	v6 =	vld [tilespmem:s28+$0x2910]  }
0xca: {  	v8 =	vld [tilespmem:s28+$0x130]  }
0xcb: {  	v9 =	vld [tilespmem:s28+$0x2930]  }
0xcc: {  	v10 =	vld [tilespmem:s28+$0x140];
	v1 =	vadd.f32 v2, v1  }
0xcd: {  	v11 =	vld [tilespmem:s28+$0x2940]  }
0xce: {  	v7 =	vld [tilespmem:s28+$0x120];
	v1 =	vmax.f32 v1, $0.0e+00  }
0xcf: {  	v2 =	vld [tilespmem:s28+$0x2920];
	v1 =	vadd.f32 $1.000000010e-07, v1  }
0xd0: {  	s25 =	simm.s32 $0x80;
	v12 =	vld [tilespmem:s28+$0x150];
	v3 =	vadd.f32 v4, v3  }
0xd1: {  	v13 =	vld [tilespmem:s25+$0x100];
	v5 =	vadd.f32 v6, v5;
	v1 =	vmul.f32 v1, v0  }
0xd2: {  	v4 =	vld [tilespmem:s28+$0x2950];
	v8 =	vadd.f32 v9, v8;
	v10 =	vadd.f32 v11, v10;
	v3 =	vmax.f32 v3, $0.0e+00  }
0xd3: {  	v6 =	vld [tilespmem:s28+$0x160];
	v5 =	vmax.f32 v5, $0.0e+00;
	v3 =	vadd.f32 $1.000000010e-07, v3;
	v1 =	vmul.f32 $1.442695020e+00, v1  }
0xd4: {  	v8 =	vmax.f32 v8, $0.0e+00;
	v5 =	vadd.f32 $1.000000010e-07, v5;
	v2 =	vadd.f32 v2, v7;
	v7 =	vld [tilespmem:s28+$0x2960]  }
0xd5: {  	v9 =	vld [tilespmem:s25+$0x2970];
	v10 =	vmax.f32 v10, $0.0e+00;
	v3 =	vmul.f32 v3, v0;
	(erf) = vpow2.f32 v1  }
0xd6: {  	v8 =	vadd.f32 $1.000000010e-07, v8;
	v10 =	vadd.f32 $1.000000010e-07, v10;
	v5 =	vmul.f32 v5, v0;
	v1 =	vld [tilespmem:s25+$0x170]  }
0xd7: {  	v14 =	vld [tilespmem:s25+$0x110];
	v4 =	vadd.f32 v4, v12;
	v2 =	vmax.f32 v2, $0.0e+00;
	v3 =	vmul.f32 $1.442695020e+00, v3  }
0xd8: {  	v15 =	vld [tilespmem:s25+$0x120];
	v8 =	vmul.f32 v8, v0;
	v5 =	vmul.f32 $1.442695020e+00, v5;
	v2 =	vadd.f32 $1.000000010e-07, v2  }
0xd9: {  	(erf) = vpow2.f32 v3;
	v3 =	vmax.f32 v4, $0.0e+00;
	v4 =	vadd.f32 v7, v6;
	v6 =	vld [tilespmem:s25+$0x2920]  }
0xda: {  	v11 =	vld [tilespmem:s25+$0x2900];
	v2 =	vmul.f32 v2, v0;
	v7 =	vmul.f32 $1.442695020e+00, v8  }
0xdb: {  	v59 =	vld [tilespmem:s25+$0x2910];
	v8 =	vmul.f32 v10, v0;
	v3 =	vadd.f32 $1.000000010e-07, v3;
	v1 =	vadd.f32 v9, v1  }
0xdc: {  	v10 =	vld [tilespmem:s25+$0x130];
	(erf) = vpow2.f32 v5;
	v2 =	vmul.f32 $1.442695020e+00, v2;
	v4 =	vmax.f32 v4, $0.0e+00  }
0xdd: {  	v3 =	vmul.f32 v3, v0;
	v4 =	vadd.f32 $1.000000010e-07, v4;
	v9 =	vld [tilespmem:s25+$0x2930];
	v1 =	vmax.f32 v1, $0.0e+00  }
0xde: {  	v6 =	vadd.f32 v6, v15;
	v5 =	vpop (erf);
	(erf) = vpow2.f32 v2;
	v2 =	vadd.f32 $1.000000010e-07, v1  }
0xdf: {  	[tilespmem:s28+$0x5170] =	vst v5;
	v5 =	vmul.f32 $1.442695020e+00, v8;
	v8 =	vadd.f32 v11, v13;
	v11 =	vmul.f32 $1.442695020e+00, v3  }
0xe0: {  	v62 =	vmax.f32 v6, $0.0e+00;
	v3 =	vmul.f32 v4, v0;
	(erf) = vpow2.f32 v7;
	v60 =	vld [tilespmem:s25+$0x140]  }
0xe1: {  	v16 =	vld [tilespmem:s25+$0x2940];
	v61 =	vmul.f32 v2, v0;
	v4 =	vmax.f32 v8, $0.0e+00;
	v8 =	vadd.f32 v59, v14  }
0xe2: {  	v10 =	vadd.f32 v9, v10;
	v1 =	vld [tilespmem:s25+$0x150];
	(erf) = vpow2.f32 v5;
	v7 =	vadd.f32 $1.000000010e-07, v4  }
0xe3: {  	v9 =	vadd.f32 $1.000000010e-07, v62;
	v4 =	vld [tilespmem:s25+$0x2950];
	v12 =	vmul.f32 $1.442695020e+00, v61;
	v8 =	vmax.f32 v8, $0.0e+00;
	v5 =	vpop (erf)  }
0xe4: {  	v2 =	vld [tilespmem:s25+$0x160];
	(erf) = vpow2.f32 v11;
	[tilespmem:s28+$0x5100] =	vst v5;
	v7 =	vmul.f32 v7, v0;
	v5 =	vadd.f32 $1.000000010e-07, v8  }
0xe5: {  	s29 =	simm.s32 $0x100;
	v3 =	vmul.f32 $1.442695020e+00, v3;
	v11 =	vmax.f32 v10, $0.0e+00;
	(erf) = vpow2.f32 v12;
	v63 =	vpop (erf);
	v6 =	vld [tilespmem:s25+$0x2960]  }
0xe6: {  	s30 =	simm.s32 $0x600;
	v10 =	vadd.f32 v16, v60;
	v8 =	vmul.f32 v5, v0;
	v5 =	vld [tilespmem:s29+$0x170];
	v7 =	vmul.f32 $1.442695020e+00, v7;
	[tilespmem:s28+$0x5110] =	vst v63  }
.LBB2_3:
0xe7: {  	p3 =	sne.s32 s30, $0x9E00;
	v12 =	vld [tilespmem:s29+$0x2970];
	v9 =	vmul.f32 v9, v0;
	v11 =	vadd.f32 $1.000000010e-07, v11;
	v13 =	vpop (erf);
	(erf) = vpow2.f32 v3  }
0xe8: {  	v8 =	vmul.f32 $1.442695020e+00, v8;
	v3 =	vld [tilespmem:s29+$0x100];
	v10 =	vmax.f32 v10, $0.0e+00;
	v1 =	vadd.f32 v4, v1;
	[tilespmem:s28+$0x5120] =	vst v13  }
0xe9: {  	v4 =	vld [tilespmem:s29+$0x2900];
	v9 =	vmul.f32 $1.442695020e+00, v9;
	v15 =	vmul.f32 v11, v0;
	v10 =	vadd.f32 $1.000000010e-07, v10;
	v13 =	vpop (erf)  }
0xea: {  	v14 =	vld [tilespmem:s29+$0x110];
	v1 =	vmax.f32 v1, $0.0e+00;
	v2 =	vadd.f32 v6, v2;
	(erf) = vpow2.f32 v7;
	[tilespmem:s28+$0x5130] =	vst v13  }
0xeb: {  	v6 =	vld [tilespmem:s29+$0x2910];
	v7 =	vmul.f32 $1.442695020e+00, v15;
	v10 =	vmul.f32 v10, v0;
	v1 =	vadd.f32 $1.000000010e-07, v1;
	v11 =	vpop (erf)  }
0xec: {  	v13 =	vld [tilespmem:s29+$0x120];
	v15 =	vadd.f32 v12, v5;
	v2 =	vmax.f32 v2, $0.0e+00;
	(erf) = vpow2.f32 v8;
	[tilespmem:s28+$0x5140] =	vst v11  }
0xed: {  	v8 =	vld [tilespmem:s29+$0x2920];
	v10 =	vmul.f32 $1.442695020e+00, v10;
	v1 =	vmul.f32 v1, v0;
	v2 =	vadd.f32 $1.000000010e-07, v2;
	v11 =	vpop (erf)  }
0xee: {  	v3 =	vadd.f32 v4, v3;
	v12 =	vld [tilespmem:s29+$0x130];
	v4 =	vmax.f32 v15, $0.0e+00;
	(erf) = vpow2.f32 v9;
	v5 =	vpop (erf);
	[tilespmem:s28+$0x5150] =	vst v11  }
0xef: {  	v9 =	vld [tilespmem:s29+$0x2930];
	v4 =	vadd.f32 $1.000000010e-07, v4;
	v11 =	vmul.f32 $1.442695020e+00, v1;
	v1 =	vmul.f32 v2, v0;
	[tilespmem:s25+$0x5170] =	vst v5  }
0xf0: {  	v2 =	vmax.f32 v3, $0.0e+00;
	v5 =	vadd.f32 v6, v14;
	v14 =	vld [tilespmem:s29+$0x140];
	(erf) = vpow2.f32 v7;
	v6 =	vpop (erf)  }
0xf1: {  	v2 =	vadd.f32 $1.000000010e-07, v2;
	v15 =	vld [tilespmem:s29+$0x2940];
	v7 =	vmul.f32 v4, v0;
	v3 =	vmul.f32 $1.442695020e+00, v1;
	[tilespmem:s28+$0x5160] =	vst v6;
	s28 =	smov.u32 s25;
	s25 =	smov.u32 s29  }
.Ltmp7:
0xf2: {  	v4 =	vmax.f32 v5, $0.0e+00;
	v5 =	vadd.f32 v8, v13;
	v1 =	vld [tilespmem:s25+$0x150];
	(erf) = vpow2.f32 v10;
	(pc) =	sbr.rel @p3 .LBB2_3-.Ltmp7, $4  }
0xf3: {  	v10 =	vmul.f32 v2, v0;
	v6 =	vadd.f32 $1.000000010e-07, v4;
	v4 =	vld [tilespmem:s25+$0x2950];
	v7 =	vmul.f32 $1.442695020e+00, v7;
	v8 =	vpop (erf)  }
0xf4: {  	v5 =	vmax.f32 v5, $0.0e+00;
	v12 =	vadd.f32 v9, v12;
	v2 =	vld [tilespmem:s25+$0x160];
	[tilespmem:s28+$0x5100] =	vst v8;
	(erf) = vpow2.f32 v11  }
0xf5: {  	s29 =	sshra.s32 s30, $0x2;
	v8 =	vmul.f32 v6, v0;
	v9 =	vadd.f32 $1.000000010e-07, v5;
	v6 =	vld [tilespmem:s25+$0x2960];
	(erf) = vpow2.f32 v7;
	v13 =	vpop (erf)  }
0xf6: {  	s30 =	sadd.s32 $0x200, s30;
	v7 =	vmul.f32 $1.442695020e+00, v10;
	v5 =	vld [tilespmem:s29+$0x170];
	v11 =	vmax.f32 v12, $0.0e+00;
	v10 =	vadd.f32 v15, v14;
	[tilespmem:s28+$0x5110] =	vst v13  }
0xf7: {  	v12 =	vld [tilespmem:s29+$0x2970];
	v13 =	vpop (erf);
	(erf) = vpow2.f32 v3  }
0xf8: {  	v14 =	vld [tilespmem:s29+$0x100];
	v11 =	vadd.f32 $1.000000010e-07, v11;
	v9 =	vmul.f32 v9, v0;
	[tilespmem:s28+$0x5120] =	vst v13  }
0xf9: {  	v8 =	vmul.f32 $1.442695020e+00, v8;
	v10 =	vmax.f32 v10, $0.0e+00;
	v1 =	vadd.f32 v4, v1;
	v13 =	vld [tilespmem:s29+$0x2900];
	v15 =	vpop (erf)  }
0xfa: {  	(erf) = vpow2.f32 v7;
	v16 =	vld [tilespmem:s29+$0x110];
	v25 =	vadd.f32 $1.000000010e-07, v10;
	v29 =	vmul.f32 v11, v0;
	[tilespmem:s28+$0x5130] =	vst v15  }
0xfb: {  	(erf) = vpow2.f32 v8;
	v2 =	vadd.f32 v6, v2;
	v1 =	vmax.f32 v1, $0.0e+00;
	v23 =	vld [tilespmem:s29+$0x2910];
	v24 =	vpop (erf)  }
0xfc: {  	v9 =	vmul.f32 $1.442695020e+00, v9;
	v17 =	vld [tilespmem:s29+$0x120];
	v4 =	vmul.f32 v25, v0;
	v1 =	vadd.f32 $1.000000010e-07, v1;
	[tilespmem:s28+$0x5140] =	vst v24  }
0xfd: {  	v6 =	vmul.f32 $1.442695020e+00, v29;
	v5 =	vadd.f32 v12, v5;
	v2 =	vmax.f32 v2, $0.0e+00;
	v26 =	vld [tilespmem:s29+$0x2920];
	v27 =	vpop (erf)  }
0xfe: {  	v28 =	vld [tilespmem:s29+$0x130];
	v4 =	vmul.f32 $1.442695020e+00, v4;
	v1 =	vmul.f32 v1, v0;
	v2 =	vadd.f32 $1.000000010e-07, v2;
	[tilespmem:s28+$0x5150] =	vst v27;
	v30 =	vpop (erf)  }
0xff: {  	v32 =	vadd.f32 v13, v14;
	v5 =	vmax.f32 v5, $0.0e+00;
	(erf) = vpow2.f32 v9;
	v31 =	vld [tilespmem:s29+$0x2930];
	[tilespmem:s25+$0x5170] =	vst v30  }
0x100: {  	v5 =	vadd.f32 $1.000000010e-07, v5;
	v1 =	vmul.f32 $1.442695020e+00, v1;
	v2 =	vmul.f32 v2, v0;
	v8 =	vld [tilespmem:s29+$0x140];
	v33 =	vpop (erf)  }
0x101: {  	(erf) = vpow2.f32 v6;
	v34 =	vld [tilespmem:s29+$0x2940];
	v35 =	vmax.f32 v32, $0.0e+00;
	v3 =	vadd.f32 v23, v16;
	[tilespmem:s28+$0x5160] =	vst v33  }
0x102: {  	(erf) = vpow2.f32 v4;
	v9 =	vadd.f32 $1.000000010e-07, v35;
	v5 =	vmul.f32 v5, v0;
	v36 =	vld [tilespmem:s29+$0x150]  }
0x103: {  	v2 =	vmul.f32 $1.442695020e+00, v2;
	v38 =	vpop (erf);
	v37 =	vld [tilespmem:s29+$0x2950];
	v3 =	vmax.f32 v3, $0.0e+00;
	v10 =	vadd.f32 v26, v17  }
0x104: {  	(erf) = vpow2.f32 v1;
	v39 =	vld [tilespmem:s29+$0x160];
	[tilespmem:s25+$0x5100] =	vst v38;
	v3 =	vadd.f32 $1.000000010e-07, v3;
	v5 =	vmul.f32 $1.442695020e+00, v5  }
0x105: {  	v9 =	vmul.f32 v9, v0;
	v41 =	vld [tilespmem:s29+$0x2960];
	v40 =	vmax.f32 v10, $0.0e+00;
	v7 =	vadd.f32 v31, v28  }
0x106: {  	v3 =	vmul.f32 v3, v0;
	v4 =	vadd.f32 $1.000000010e-07, v40;
	(erf) = vpow2.f32 v5  }
0x107: {  	v42 =	vmul.f32 $1.442695020e+00, v9;
	v8 =	vadd.f32 v34, v8;
	v7 =	vmax.f32 v7, $0.0e+00  }
0x108: {  	(erf) = vpow2.f32 v2;
	v4 =	vmul.f32 v4, v0;
	v7 =	vadd.f32 $1.000000010e-07, v7  }
0x109: {  	v43 =	vmul.f32 $1.442695020e+00, v3;
	v44 =	vmax.f32 v8, $0.0e+00;
	v6 =	vadd.f32 v37, v36  }
0x10a: {  	(erf) = vpow2.f32 v42;
	v3 =	vadd.f32 $1.000000010e-07, v44;
	v1 =	vadd.f32 v41, v39  }
0x10b: {  	v4 =	vmul.f32 $1.442695020e+00, v4;
	v7 =	vmul.f32 v7, v0;
	v6 =	vmax.f32 v6, $0.0e+00  }
0x10c: {  	(erf) = vpow2.f32 v43;
	v45 =	vadd.f32 $1.000000010e-07, v6;
	v1 =	vmax.f32 v1, $0.0e+00  }
0x10d: {  	v3 =	vmul.f32 v3, v0;
	v46 =	vmul.f32 $1.442695020e+00, v7;
	v1 =	vadd.f32 $1.000000010e-07, v1  }
0x10e: {  	v49 =	vpop (erf);
	(erf) = vpow2.f32 v4;
	v48 =	vmul.f32 v45, v0  }
0x10f: {  	v47 =	vmul.f32 $1.442695020e+00, v3;
	v50 =	vmul.f32 v1, v0  }
0x110: {  	[tilespmem:s25+$0x5110] =	vst v49;
	v51 =	vpop (erf);
	(erf) = vpow2.f32 v46;
	v3 =	vmul.f32 $1.442695020e+00, v48  }
0x111: {  	[tilespmem:s25+$0x5120] =	vst v51;
	v52 =	vpop (erf);
	(erf) = vpow2.f32 v47;
	v0 =	vmul.f32 $1.442695020e+00, v50  }
0x112: {  	[tilespmem:s25+$0x5130] =	vst v52;
	v53 =	vpop (erf);
	(erf) = vpow2.f32 v3  }
0x113: {  	[tilespmem:s25+$0x5140] =	vst v53;
	v54 =	vpop (erf);
	(erf) = vpow2.f32 v0  }
0x114: {  	[tilespmem:s25+$0x5150] =	vst v54;
	v55 =	vpop (erf)  }
0x115: {  	v56 =	vpop (erf);
	[tilespmem:s29+$0x5170] =	vst v55  }
0x116: {  	v57 =	vpop (erf);
	[tilespmem:s25+$0x5160] =	vst v56  }
0x117: {  	[tilespmem:s29+$0x5100] =	vst v57;
	v58 =	vpop (erf)  }
0x118: {  	[tilespmem:s29+$0x5110] =	vst v58;
	v59 =	vpop (erf)  }
0x119: {  	[tilespmem:s29+$0x5120] =	vst v59;
	v60 =	vpop (erf)  }
0x11a: {  	[tilespmem:s29+$0x5130] =	vst v60;
	v61 =	vpop (erf)  }
0x11b: {  	s26 =	sadd.s32 $0x1, s26;
	[tilespmem:s29+$0x5140] =	vst v61;
	v62 =	vpop (erf)  }
0x11c: {  	p3 =	sne.s32 s26, $0xFA;
	[tilespmem:s29+$0x5150] =	vst v62;
	v63 =	vpop (erf)  }
.Ltmp8:
0x11d: {  	[tilespmem:s29+$0x5160] =	vst v63;
	(pc) =	sbr.rel @p3 .LBB2_2-.Ltmp8, $4  }
0x11e: {  	[spmem:s2] =	stream.indirect.scatter.add.f32 [tilespmem:s21], [sflag:$0x2], $0x80, s16, s17, $0xb8;
	[tilespmem:$0x1B200] =	vst v63  }
0x11f: {  	_ =	swait.ge [sflag:s15], $0x2800  }
0x120: {  	[sflag:s15] =	ssyncset.done $0x0  }
0x121: {  	[sflag:s15] =	ssyncadd.s32 $0xFFFFD800  }
.Ltmp9:
0x122: {  	(pc) =	sbr.rel @!p2 .LBB2_11-.Ltmp9, $4  }
.Ltmp10:
0x123: {  	(pc) =	sbr.rel @p2 .LBB2_10-.Ltmp10, $4  }
0x124: {  	_ = 	snop  }
0x125: {  	[bflag:$0x0] =	sbarrier.arrive $0xFFFF  }
0x126: {  	s25 =	smov.u32 s9  }
0x127: {  	_ = 	snop  }
.LBB2_12:
0x128: {  	_ =	sfence.sel $0x180000  }
0x129: {  	[bflag:$0x0] =	sbarrier.arrive $0xFFFF  }
0x12a: {  	_ =	strace $0x90000047  }
0x12b: {  	s0 =	sadd.s32 @!p0 $0x100000, s0;
	[bflag:$0x2] =	sbarrier.arrive $0xFFFF  }
0x12c: {  	[sflag:s0] =	ssyncadd.tile.s32 @!p0 $0x1;
	_ =	shalt  }
.Lfunc_end2:
_tile_overlayer_lowered:
.L_overlay_start_2:
0x12d: {  	(tag) =	ssettag $0x2  }
0x12e: {  	s0 =	rddreg [dreg:$0x0];
	s2 =	stileid.u32  }
0x12f: {  	s1 =	rddreg [dreg:$0x1];
	p0 =	sne.s32 s2, $0x0  }
0x130: {  	s3 =	rddreg [dreg:$0x2];
	[bflag:$0x3] =	sbarrier.arrive $0xFFFF;
	s2 =	simm.s32 @!p0 $0x1C02  }
0x131: {  	[timem:s3], [sflag:s2] =	dma.local @!p0 [hbm:s0], s1  }
0x132: {  	s0 =	simm.s32 @!p0 $0x2  }
0x133: {  	_ =	swait.ge @!p0 [sflag:s0], s1  }
0x134: {  	s1 =	ssub.s32 @!p0 $0x0, s1;
	[sflag:s0] =	ssyncset.done @!p0 $0x0  }
0x135: {  	[sflag:s0] =	ssyncadd.s32 @!p0 s1  }
0x136: {  	[bflag:$0x3] =	sbarrier.arrive $0xFFFF  }
0x137: {  	_ =	shalt  }

</sc_bundles>
